<compile_context>
chip_gen: v7x
topology: tpu7x:2x2x1
jax: 0.10.2.dev20260603
libtpu: 0.0.44.dev20260713+nightly
codegen_flags: <defaults>
</compile_context>

<pallas_src>
import functools

import jax
import jax.numpy as jnp
from jax import lax
from jax.experimental import pallas as pl
from jax.experimental.pallas import tpu as pltpu
from jax.experimental.pallas import tpu_sc as plsc

_M_T = 1024
_UNROLL = 16


def _sc_index_kernel(indt_hbm, mix_hbm, src_hbm, dst_hbm,
                     keys_v, vals_v, lut_v, mix_v, src_v, dst_v):
    n_pairs = indt_hbm.shape[0]
    n_ind = indt_hbm.shape[2]
    m_tot = mix_hbm.shape[1]
    c_tot = lut_v.shape[0]
    nc = plsc.get_sparse_core_info().num_cores
    wid = lax.axis_index("s") * nc + lax.axis_index("c")

    @pl.when(wid < n_pairs)
    def _work():
        p = wid
        pltpu.sync_copy(indt_hbm.at[p, 0], keys_v.at[pl.ds(0, n_ind)])
        pltpu.sync_copy(indt_hbm.at[p, 1], vals_v)
        pltpu.sync_copy(mix_hbm.at[p], mix_v)
        keys_v[pl.ds(n_ind, 16)] = jnp.full((16,), -1, jnp.int32)

        cvec = jnp.full((16,), c_tot, jnp.int32)

        def init_body(j, carry):
            lut_v[pl.ds(j * 16, 16)] = cvec
            return carry

        lax.fori_loop(0, c_tot // 16, init_body, 0)

        def build_body(j, carry):
            k16 = keys_v[pl.ds(j * 16, 16)]
            v16 = vals_v[pl.ds(j * 16, 16)]
            dup = k16 != k16
            for sh in range(1, 16):
                dup = jnp.logical_or(
                    dup, keys_v[pl.ds(j * 16 + sh, 16)] == k16)
            plsc.store_scatter(lut_v, [k16], v16,
                               mask=jnp.logical_not(dup))
            return carry

        lax.fori_loop(0, n_ind // 16, build_body, 0)

        def gather_body(j, carry):
            idx = mix_v[pl.ds(j * 16, 16)]
            src_v[pl.ds(j * 16, 16)] = plsc.load_gather(lut_v, [idx])
            dst_v[pl.ds(j * 16, 16)] = plsc.load_gather(vals_v, [idx])
            return carry

        lax.fori_loop(0, m_tot // 16, gather_body, 0)
        pltpu.sync_copy(src_v, src_hbm.at[p])
        pltpu.sync_copy(dst_v, dst_hbm.at[p])


def _tk_kernel(inp_ref, w1b_ref, b1_ref, w2b_ref, b2_ref, src_ref, dst_ref,
               out_ref, g_ref, d_ref):
    s = pl.program_id(0)
    t = pl.program_id(1)

    @pl.when((s == 0) & (t == 0))
    def _zero_out():
        out_ref[...] = jnp.zeros(out_ref.shape, out_ref.dtype)

    def gather_body(k, carry):
        for u in range(_UNROLL):
            m = k * _UNROLL + u
            for i in range(3):
                g_ref[i, m] = inp_ref[src_ref[0, i, m]]
        return carry

    lax.fori_loop(0, _M_T // _UNROLL, gather_body, 0)

    x0 = g_ref[0].reshape(_M_T * 8, 256)
    x1 = g_ref[1].reshape(_M_T * 8, 256)
    x2 = g_ref[2].reshape(_M_T * 8, 256)
    z = (jnp.dot(x0, w1b_ref[0], preferred_element_type=jnp.float32)
         + jnp.dot(x1, w1b_ref[1], preferred_element_type=jnp.float32)
         + jnp.dot(x2, w1b_ref[2], preferred_element_type=jnp.float32))
    z = z + b1_ref[0:1, :]
    a = jnp.maximum(z, 0.0).astype(jnp.bfloat16)
    d = jnp.dot(a, w2b_ref[...], preferred_element_type=jnp.float32)
    d = d + b2_ref[0:1, :]
    d_ref[...] = d.reshape(_M_T, 8, 256)

    def scatter_body(k, carry):
        for u in range(_UNROLL):
            m = k * _UNROLL + u
            dval = d_ref[m]
            for i in range(3):
                c = dst_ref[0, i, m]
                out_ref[c] = jnp.maximum(out_ref[c], dval)
        return carry

    lax.fori_loop(0, _M_T // _UNROLL, scatter_body, 0)


@functools.partial(jax.jit, static_argnums=())
def kernel(input_tensor, ind0, ind1, ind2, mix_ind, w1, b1, w2, b2):
    F_in, R, C = input_tensor.shape
    F_out = w2.shape[0]
    S = ind0.shape[0]
    M = mix_ind.shape[2]
    RF = R * F_in
    lanes = RF // 8

    inp_rows = jnp.transpose(input_tensor, (2, 1, 0)).reshape(C, 8, lanes)
    inp_rows = jnp.concatenate(
        [inp_rows, jnp.zeros((1, 8, lanes), inp_rows.dtype)], axis=0)
    inp_rows = inp_rows.astype(jnp.bfloat16)

    inds = (ind0, ind1, ind2)
    indt_all = jnp.stack([jnp.transpose(inds[i][s], (1, 0))
                          for s in range(S) for i in range(3)])
    mix6 = mix_ind.reshape(3 * S, M)

    n_ind = ind0.shape[1]
    sc_mesh = plsc.VectorSubcoreMesh(core_axis_name="c", subcore_axis_name="s")
    src6, dst6 = pl.kernel(
        _sc_index_kernel,
        out_type=(jax.ShapeDtypeStruct((3 * S, M), jnp.int32),
                  jax.ShapeDtypeStruct((3 * S, M), jnp.int32)),
        mesh=sc_mesh,
        scratch_types=[
            pltpu.VMEM((n_ind + 16,), jnp.int32),
            pltpu.VMEM((n_ind,), jnp.int32),
            pltpu.VMEM((C,), jnp.int32),
            pltpu.VMEM((M,), jnp.int32),
            pltpu.VMEM((M,), jnp.int32),
            pltpu.VMEM((M,), jnp.int32),
        ],
        compiler_params=pltpu.CompilerParams(needs_layout_passes=False),
    )(indt_all, mix6)
    src_all = src6.reshape(S, 3, M)
    dst_all = dst6.reshape(S, 3, M)

    eye8 = jnp.eye(8, dtype=w1.dtype)
    w1b = jnp.stack([jnp.kron(eye8, w1[:, i * F_in:(i + 1) * F_in].T)
                     for i in range(3)]).astype(jnp.bfloat16)
    w2b = jnp.kron(eye8, w2.T).astype(jnp.bfloat16)
    b1b = jnp.broadcast_to(jnp.tile(b1, 8)[None, :], (8, 8 * w1.shape[0]))
    b2b = jnp.broadcast_to(jnp.tile(b2, 8)[None, :], (8, 8 * F_out))

    grid = (S, M // _M_T)
    out_rows = pl.pallas_call(
        _tk_kernel,
        grid=grid,
        in_specs=[
            pl.BlockSpec((C + 1, 8, lanes), lambda s, t: (0, 0, 0)),
            pl.BlockSpec((3, 256, 512), lambda s, t: (0, 0, 0)),
            pl.BlockSpec((8, 512), lambda s, t: (0, 0)),
            pl.BlockSpec((512, 256), lambda s, t: (0, 0)),
            pl.BlockSpec((8, 256), lambda s, t: (0, 0)),
            pl.BlockSpec((1, 3, _M_T), lambda s, t: (s, 0, t),
                         memory_space=pltpu.SMEM),
            pl.BlockSpec((1, 3, _M_T), lambda s, t: (s, 0, t),
                         memory_space=pltpu.SMEM),
        ],
        out_specs=pl.BlockSpec((C, 8, lanes), lambda s, t: (0, 0, 0)),
        out_shape=jax.ShapeDtypeStruct((C, 8, lanes), jnp.float32),
        scratch_shapes=[
            pltpu.VMEM((3, _M_T, 8, lanes), jnp.bfloat16),
            pltpu.VMEM((_M_T, 8, lanes), jnp.float32),
        ],
        compiler_params=pltpu.CompilerParams(
            dimension_semantics=("arbitrary", "arbitrary"),
            vmem_limit_bytes=100 * 1024 * 1024),
    )(inp_rows, w1b, b1b, w2b, b2b, src_all, dst_all)

    return jnp.transpose(out_rows.reshape(C, R, F_out), (2, 1, 0))

# --- scband reference (transcript-rebuilt; emitter-appended) ---
"""Pipeline reference for scband-triple-scatter-module-12111807775165 (READ-ONLY COPY).

The authoritative reference and input builder live on the scoring server;
editing this copy changes nothing except your own understanding.
"""

import jax, jax.numpy as jnp
import numpy as np

F_IN, R, C = 32, 64, 2048
HID, F_OUT = 64, 32
S, N_IND, M_MIX = 2, 2048, 4096
CHUNK_SIZE = 32


def setup_inputs(seed: int = 0):
    key = jax.random.key(seed)
    ks = jax.random.split(key, 8)
    input_tensor = jax.random.normal(ks[0], (F_IN, R, C), dtype=jnp.float32)
    ind0 = jax.random.randint(ks[1], (S, N_IND, 2), 0, C, dtype=jnp.int32)
    ind1 = jax.random.randint(ks[2], (S, N_IND, 2), 0, C, dtype=jnp.int32)
    ind2 = jax.random.randint(ks[3], (S, N_IND, 2), 0, C, dtype=jnp.int32)
    mix_ind = jax.random.randint(ks[4], (S, 3, M_MIX), 0, N_IND, dtype=jnp.int32)
    w1 = jax.random.normal(ks[5], (HID, 3 * F_IN), dtype=jnp.float32)
    b1 = jnp.zeros((HID,), dtype=jnp.float32)
    w2 = jax.random.normal(ks[6], (F_OUT, HID), dtype=jnp.float32)
    b2 = jnp.zeros((F_OUT,), dtype=jnp.float32)
    return {"input_tensor": input_tensor, "ind0": ind0, "ind1": ind1, "ind2": ind2,
            "mix_ind": mix_ind, "w1": w1, "b1": b1, "w2": w2, "b2": b2}


def _forward(input_tensor, w1, b1, w2, b2, ind0, ind1, ind2, mix_ind, chunk_size=CHUNK_SIZE):
    F_in, R_, C_ = input_tensor.shape
    F_out = w2.shape[0]
    num_sets = ind0.shape[0]
    out_parts = []
    for r_start in range(0, R_, chunk_size):
        r_end = min(r_start + chunk_size, R_)
        curr_R = r_end - r_start
        chunk = input_tensor[:, r_start:r_end, :]

        def project(ind):
            n = ind.shape[0]
            res = jnp.zeros((F_in, curr_R, n), dtype=input_tensor.dtype)
            return res.at[:, :, ind[:, 0]].set(chunk[:, :, ind[:, 1]])

        out_chunk = jnp.zeros((curr_R, C_, F_out), dtype=input_tensor.dtype)
        for s in range(num_sets):
            c1 = project(ind0[s])[:, :, mix_ind[s, 0]]
            c2 = project(ind1[s])[:, :, mix_ind[s, 1]]
            c3 = project(ind2[s])[:, :, mix_ind[s, 2]]
            c = jnp.concatenate([c1, c2, c3], axis=0)
            c_flat = jnp.transpose(c, (1, 2, 0)).reshape(-1, 3 * F_in)
            z1 = jnp.matmul(c_flat, w1.T) + b1
            a1 = jax.nn.relu(z1)
            d_flat = jnp.matmul(a1, w2.T) + b2
            d_for_scatter = d_flat.reshape(curr_R, -1, F_out)
            for ind_i, ind in enumerate([ind0[s], ind1[s], ind2[s]]):
                idx = ind[:, 1][mix_ind[s, ind_i]]
                out_chunk = out_chunk.at[:, idx, :].max(d_for_scatter)
        out_parts.append(jnp.transpose(out_chunk, (2, 0, 1)))
    return jnp.concatenate(out_parts, axis=1)


def reference(input_tensor, ind0, ind1, ind2, mix_ind, w1, b1, w2, b2):
    return _forward(input_tensor, w1, b1, w2, b2, ind0, ind1, ind2, mix_ind)

if __name__ == "__main__":
    import jax
    _d = setup_inputs()
    print(jax.jit(kernel)(*tuple(_d.values())))

</pallas_src>

<mosaic_0001>
#map = affine_map<(d0, d1) -> (0, 0, 0)>
#map1 = affine_map<(d0, d1) -> (0, 0)>
module attributes {stable_mosaic.version = 14 : i64} {
  func.func @_sc_index_kernel(%arg0: i32, %arg1: i32, %arg2: memref<6x2x2048xi32, #tpu.memory_space<hbm>>, %arg3: memref<6x4096xi32, #tpu.memory_space<hbm>>, %arg4: memref<6x4096xi32, #tpu.memory_space<hbm>>, %arg5: memref<6x4096xi32, #tpu.memory_space<hbm>>, %arg6: memref<2064xi32, #tpu.memory_space<vmem>>, %arg7: memref<2048xi32, #tpu.memory_space<vmem>>, %arg8: memref<2048xi32, #tpu.memory_space<vmem>>, %arg9: memref<4096xi32, #tpu.memory_space<vmem>>, %arg10: memref<4096xi32, #tpu.memory_space<vmem>>, %arg11: memref<4096xi32, #tpu.memory_space<vmem>>) attributes {dimension_semantics = [#tpu.dimension_semantics<core_parallel>, #tpu.dimension_semantics<subcore_parallel>], iteration_bounds = array<i64: 2, 16>, scalar_prefetch = 0 : i64, scratch_operands = 6 : i64, tpu.core_type = #tpu.core_type<sc_vector_subcore>, window_params = [{transform_indices = #map}, {transform_indices = #map1}, {transform_indices = #map1}, {transform_indices = #map1}]} {
    %mul3A = arith.constant 2 : i32
    %mul3A_0 = arith.muli %arg1, %mul3A : i32
    %add3A = arith.addi %mul3A_0, %arg0 : i32
    %lt3A = arith.constant 6 : i32
    %lt3A_1 = arith.cmpi slt, %add3A, %lt3A : i32
    %convert_element_type3A = arith.extui %lt3A_1 : i1 to i32
    %cond3A = arith.constant 0 : i32
    %cond3A_2 = arith.cmpi ne, %convert_element_type3A, %cond3A : i32
    scf.if %cond3A_2 {
      %run_scoped3A = arith.constant 0 : i32
      "tpu.region"() ({
        %run_scoped3A_25 = tpu.sem_alloc : memref<!tpu.dma_semaphore, #tpu.memory_space<semaphore_mem>>
        %dma_start3A = arith.constant 0 : i32
        %dma_start3A_26 = tpu.memref_slice %arg6[%dma_start3A] : memref<2064xi32, #tpu.memory_space<vmem>> -> memref<2048xi32, #tpu.memory_space<vmem>>
        %dma_start3A_27 = arith.constant 0 : i32
        %dma_start3A_28 = tpu.memref_slice %arg2[%add3A, %run_scoped3A, %dma_start3A_27] : memref<6x2x2048xi32, #tpu.memory_space<hbm>> -> memref<1x1x2048xi32, #tpu.memory_space<hbm>>
        %dma_start3A_29 = tpu.memref_squeeze %dma_start3A_28 : memref<1x1x2048xi32, #tpu.memory_space<hbm>> -> memref<2048xi32, #tpu.memory_space<hbm>>
        %dma_start3A_30 = arith.constant 0 : i32
        %dma_start3A_31 = tpu.memref_slice %arg6[%dma_start3A_30] : memref<2064xi32, #tpu.memory_space<vmem>> -> memref<2048xi32, #tpu.memory_space<vmem>>
        %dma_start3A_32 = arith.constant 0 : i32
        %dma_start3A_33 = tpu.memref_slice %arg2[%add3A, %run_scoped3A, %dma_start3A_32] : memref<6x2x2048xi32, #tpu.memory_space<hbm>> -> memref<1x1x2048xi32, #tpu.memory_space<hbm>>
        %dma_start3A_34 = tpu.memref_squeeze %dma_start3A_33 : memref<1x1x2048xi32, #tpu.memory_space<hbm>> -> memref<2048xi32, #tpu.memory_space<hbm>>
        tpu.enqueue_dma source(%dma_start3A_34 : memref<2048xi32, #tpu.memory_space<hbm>>) target(%dma_start3A_31 : memref<2048xi32, #tpu.memory_space<vmem>>) target_semaphore(%run_scoped3A_25 : memref<!tpu.dma_semaphore, #tpu.memory_space<semaphore_mem>>)
        %dma_wait3A = arith.constant 0 : i32
        %dma_wait3A_35 = tpu.memref_slice %arg6[%dma_wait3A] : memref<2064xi32, #tpu.memory_space<vmem>> -> memref<2048xi32, #tpu.memory_space<vmem>>
        %dma_wait3A_36 = arith.constant 0 : i32
        %dma_wait3A_37 = tpu.memref_slice %arg2[%add3A, %run_scoped3A, %dma_wait3A_36] : memref<6x2x2048xi32, #tpu.memory_space<hbm>> -> memref<1x1x2048xi32, #tpu.memory_space<hbm>>
        %dma_wait3A_38 = tpu.memref_squeeze %dma_wait3A_37 : memref<1x1x2048xi32, #tpu.memory_space<hbm>> -> memref<2048xi32, #tpu.memory_space<hbm>>
        %dma_wait3A_39 = arith.constant 0 : i32
        %dma_wait3A_40 = tpu.memref_slice %arg6[%dma_wait3A_39] : memref<2064xi32, #tpu.memory_space<vmem>> -> memref<2048xi32, #tpu.memory_space<vmem>>
        %dma_wait3A_41 = arith.constant 0 : i32
        %dma_wait3A_42 = tpu.memref_slice %arg2[%add3A, %run_scoped3A, %dma_wait3A_41] : memref<6x2x2048xi32, #tpu.memory_space<hbm>> -> memref<1x1x2048xi32, #tpu.memory_space<hbm>>
        %dma_wait3A_43 = tpu.memref_squeeze %dma_wait3A_42 : memref<1x1x2048xi32, #tpu.memory_space<hbm>> -> memref<2048xi32, #tpu.memory_space<hbm>>
        tpu.wait_dma2 semaphore(%run_scoped3A_25 : memref<!tpu.dma_semaphore, #tpu.memory_space<semaphore_mem>>) src(%dma_wait3A_43 : memref<2048xi32, #tpu.memory_space<hbm>>) dst(%dma_wait3A_40 : memref<2048xi32, #tpu.memory_space<vmem>>)
        tpu.yield
      }) : () -> ()
      %run_scoped3A_3 = arith.constant 1 : i32
      "tpu.region"() ({
        %run_scoped3A_25 = tpu.sem_alloc : memref<!tpu.dma_semaphore, #tpu.memory_space<semaphore_mem>>
        %dma_start3A = arith.constant 0 : i32
        %dma_start3A_26 = tpu.memref_slice %arg2[%add3A, %run_scoped3A_3, %dma_start3A] : memref<6x2x2048xi32, #tpu.memory_space<hbm>> -> memref<1x1x2048xi32, #tpu.memory_space<hbm>>
        %dma_start3A_27 = tpu.memref_squeeze %dma_start3A_26 : memref<1x1x2048xi32, #tpu.memory_space<hbm>> -> memref<2048xi32, #tpu.memory_space<hbm>>
        %dma_start3A_28 = arith.constant 0 : i32
        %dma_start3A_29 = tpu.memref_slice %arg2[%add3A, %run_scoped3A_3, %dma_start3A_28] : memref<6x2x2048xi32, #tpu.memory_space<hbm>> -> memref<1x1x2048xi32, #tpu.memory_space<hbm>>
        %dma_start3A_30 = tpu.memref_squeeze %dma_start3A_29 : memref<1x1x2048xi32, #tpu.memory_space<hbm>> -> memref<2048xi32, #tpu.memory_space<hbm>>
        tpu.enqueue_dma source(%dma_start3A_30 : memref<2048xi32, #tpu.memory_space<hbm>>) target(%arg7 : memref<2048xi32, #tpu.memory_space<vmem>>) target_semaphore(%run_scoped3A_25 : memref<!tpu.dma_semaphore, #tpu.memory_space<semaphore_mem>>)
        %dma_wait3A = arith.constant 0 : i32
        %dma_wait3A_31 = tpu.memref_slice %arg2[%add3A, %run_scoped3A_3, %dma_wait3A] : memref<6x2x2048xi32, #tpu.memory_space<hbm>> -> memref<1x1x2048xi32, #tpu.memory_space<hbm>>
        %dma_wait3A_32 = tpu.memref_squeeze %dma_wait3A_31 : memref<1x1x2048xi32, #tpu.memory_space<hbm>> -> memref<2048xi32, #tpu.memory_space<hbm>>
        %dma_wait3A_33 = arith.constant 0 : i32
        %dma_wait3A_34 = tpu.memref_slice %arg2[%add3A, %run_scoped3A_3, %dma_wait3A_33] : memref<6x2x2048xi32, #tpu.memory_space<hbm>> -> memref<1x1x2048xi32, #tpu.memory_space<hbm>>
        %dma_wait3A_35 = tpu.memref_squeeze %dma_wait3A_34 : memref<1x1x2048xi32, #tpu.memory_space<hbm>> -> memref<2048xi32, #tpu.memory_space<hbm>>
        tpu.wait_dma2 semaphore(%run_scoped3A_25 : memref<!tpu.dma_semaphore, #tpu.memory_space<semaphore_mem>>) src(%dma_wait3A_35 : memref<2048xi32, #tpu.memory_space<hbm>>) dst(%arg7 : memref<2048xi32, #tpu.memory_space<vmem>>)
        tpu.yield
      }) : () -> ()
      "tpu.region"() ({
        %run_scoped3A_25 = tpu.sem_alloc : memref<!tpu.dma_semaphore, #tpu.memory_space<semaphore_mem>>
        %dma_start3A = arith.constant 0 : i32
        %dma_start3A_26 = tpu.memref_slice %arg3[%add3A, %dma_start3A] : memref<6x4096xi32, #tpu.memory_space<hbm>> -> memref<1x4096xi32, #tpu.memory_space<hbm>>
        %dma_start3A_27 = tpu.memref_squeeze %dma_start3A_26 : memref<1x4096xi32, #tpu.memory_space<hbm>> -> memref<4096xi32, #tpu.memory_space<hbm>>
        %dma_start3A_28 = arith.constant 0 : i32
        %dma_start3A_29 = tpu.memref_slice %arg3[%add3A, %dma_start3A_28] : memref<6x4096xi32, #tpu.memory_space<hbm>> -> memref<1x4096xi32, #tpu.memory_space<hbm>>
        %dma_start3A_30 = tpu.memref_squeeze %dma_start3A_29 : memref<1x4096xi32, #tpu.memory_space<hbm>> -> memref<4096xi32, #tpu.memory_space<hbm>>
        tpu.enqueue_dma source(%dma_start3A_30 : memref<4096xi32, #tpu.memory_space<hbm>>) target(%arg9 : memref<4096xi32, #tpu.memory_space<vmem>>) target_semaphore(%run_scoped3A_25 : memref<!tpu.dma_semaphore, #tpu.memory_space<semaphore_mem>>)
        %dma_wait3A = arith.constant 0 : i32
        %dma_wait3A_31 = tpu.memref_slice %arg3[%add3A, %dma_wait3A] : memref<6x4096xi32, #tpu.memory_space<hbm>> -> memref<1x4096xi32, #tpu.memory_space<hbm>>
        %dma_wait3A_32 = tpu.memref_squeeze %dma_wait3A_31 : memref<1x4096xi32, #tpu.memory_space<hbm>> -> memref<4096xi32, #tpu.memory_space<hbm>>
        %dma_wait3A_33 = arith.constant 0 : i32
        %dma_wait3A_34 = tpu.memref_slice %arg3[%add3A, %dma_wait3A_33] : memref<6x4096xi32, #tpu.memory_space<hbm>> -> memref<1x4096xi32, #tpu.memory_space<hbm>>
        %dma_wait3A_35 = tpu.memref_squeeze %dma_wait3A_34 : memref<1x4096xi32, #tpu.memory_space<hbm>> -> memref<4096xi32, #tpu.memory_space<hbm>>
        tpu.wait_dma2 semaphore(%run_scoped3A_25 : memref<!tpu.dma_semaphore, #tpu.memory_space<semaphore_mem>>) src(%dma_wait3A_35 : memref<4096xi32, #tpu.memory_space<hbm>>) dst(%arg9 : memref<4096xi32, #tpu.memory_space<vmem>>)
        tpu.yield
      }) : () -> ()
      %broadcast_in_dim3A = arith.constant -1 : i32
      %broadcast_in_dim3A_4 = vector.broadcast %broadcast_in_dim3A : i32 to vector<16xi32>
      %swap3A = arith.constant 2048 : index
      %swap3A_5 = tpu.vector_load %arg6[%swap3A] {strides = array<i32>} : memref<2064xi32, #tpu.memory_space<vmem>>, vector<16xi32>,
      tpu.vector_store %arg6[%swap3A], %broadcast_in_dim3A_4 {strides = array<i32>} : memref<2064xi32, #tpu.memory_space<vmem>>, vector<16xi32>,
      %broadcast_in_dim3A_6 = arith.constant 2048 : i32
      %broadcast_in_dim3A_7 = vector.broadcast %broadcast_in_dim3A_6 : i32 to vector<16xi32>
      %scan3A = arith.constant 0 : i32
      %scan3A_8 = arith.constant 0 : i32
      %scan3A_9 = arith.constant 128 : i32
      %scan3A_10 = arith.addi %scan3A_8, %scan3A_9 : i32
      %scan3A_11 = arith.constant 1 : i32
      scf.for %scan3A_25 = %scan3A_8 to %scan3A_10 step %scan3A_11  : i32 {
        %mul3A_26 = arith.constant 16 : i32
        %mul3A_27 = arith.muli %scan3A_25, %mul3A_26 : i32
        %swap3A_28 = arith.index_cast %mul3A_27 : i32 to index
        %swap3A_29 = tpu.vector_load %arg8[%swap3A_28] {strides = array<i32>} : memref<2048xi32, #tpu.memory_space<vmem>>, vector<16xi32>,
        tpu.vector_store %arg8[%swap3A_28], %broadcast_in_dim3A_7 {strides = array<i32>} : memref<2048xi32, #tpu.memory_space<vmem>>, vector<16xi32>,
      }
      %scan3A_12 = arith.constant 128 : i32
      %scan3A_13 = arith.constant 0 : i32
      %scan3A_14 = arith.constant 0 : i32
      %scan3A_15 = arith.constant 128 : i32
      %scan3A_16 = arith.addi %scan3A_14, %scan3A_15 : i32
      %scan3A_17 = arith.constant 1 : i32
      scf.for %scan3A_25 = %scan3A_14 to %scan3A_16 step %scan3A_17  : i32 {
        %mul3A_26 = arith.constant 16 : i32
        %mul3A_27 = arith.muli %scan3A_25, %mul3A_26 : i32
        %get3A = arith.index_cast %mul3A_27 : i32 to index
        %get3A_28 = tpu.vector_load %arg6[%get3A] {strides = array<i32>} : memref<2064xi32, #tpu.memory_space<vmem>>, vector<16xi32>,
        %mul3A_29 = arith.constant 16 : i32
        %mul3A_30 = arith.muli %scan3A_25, %mul3A_29 : i32
        %get3A_31 = arith.index_cast %mul3A_30 : i32 to index
        %get3A_32 = tpu.vector_load %arg7[%get3A_31] {strides = array<i32>} : memref<2048xi32, #tpu.memory_space<vmem>>, vector<16xi32>,
        %ne3A = arith.cmpi ne, %get3A_28, %get3A_28 : vector<16xi32>
        %mul3A_33 = arith.constant 16 : i32
        %mul3A_34 = arith.muli %scan3A_25, %mul3A_33 : i32
        %add3A_35 = arith.constant 1 : i32
        %add3A_36 = arith.addi %mul3A_34, %add3A_35 : i32
        %get3A_37 = arith.index_cast %add3A_36 : i32 to index
        %get3A_38 = tpu.vector_load %arg6[%get3A_37] {strides = array<i32>} : memref<2064xi32, #tpu.memory_space<vmem>>, vector<16xi32>,
        %eq3A = arith.cmpi eq, %get3A_38, %get3A_28 : vector<16xi32>
        %or3A = arith.ori %ne3A, %eq3A : vector<16xi1>
        %mul3A_39 = arith.constant 16 : i32
        %mul3A_40 = arith.muli %scan3A_25, %mul3A_39 : i32
        %add3A_41 = arith.constant 2 : i32
        %add3A_42 = arith.addi %mul3A_40, %add3A_41 : i32
        %get3A_43 = arith.index_cast %add3A_42 : i32 to index
        %get3A_44 = tpu.vector_load %arg6[%get3A_43] {strides = array<i32>} : memref<2064xi32, #tpu.memory_space<vmem>>, vector<16xi32>,
        %eq3A_45 = arith.cmpi eq, %get3A_44, %get3A_28 : vector<16xi32>
        %or3A_46 = arith.ori %or3A, %eq3A_45 : vector<16xi1>
        %mul3A_47 = arith.constant 16 : i32
        %mul3A_48 = arith.muli %scan3A_25, %mul3A_47 : i32
        %add3A_49 = arith.constant 3 : i32
        %add3A_50 = arith.addi %mul3A_48, %add3A_49 : i32
        %get3A_51 = arith.index_cast %add3A_50 : i32 to index
        %get3A_52 = tpu.vector_load %arg6[%get3A_51] {strides = array<i32>} : memref<2064xi32, #tpu.memory_space<vmem>>, vector<16xi32>,
        %eq3A_53 = arith.cmpi eq, %get3A_52, %get3A_28 : vector<16xi32>
        %or3A_54 = arith.ori %or3A_46, %eq3A_53 : vector<16xi1>
        %mul3A_55 = arith.constant 16 : i32
        %mul3A_56 = arith.muli %scan3A_25, %mul3A_55 : i32
        %add3A_57 = arith.constant 4 : i32
        %add3A_58 = arith.addi %mul3A_56, %add3A_57 : i32
        %get3A_59 = arith.index_cast %add3A_58 : i32 to index
        %get3A_60 = tpu.vector_load %arg6[%get3A_59] {strides = array<i32>} : memref<2064xi32, #tpu.memory_space<vmem>>, vector<16xi32>,
        %eq3A_61 = arith.cmpi eq, %get3A_60, %get3A_28 : vector<16xi32>
        %or3A_62 = arith.ori %or3A_54, %eq3A_61 : vector<16xi1>
        %mul3A_63 = arith.constant 16 : i32
        %mul3A_64 = arith.muli %scan3A_25, %mul3A_63 : i32
        %add3A_65 = arith.constant 5 : i32
        %add3A_66 = arith.addi %mul3A_64, %add3A_65 : i32
        %get3A_67 = arith.index_cast %add3A_66 : i32 to index
        %get3A_68 = tpu.vector_load %arg6[%get3A_67] {strides = array<i32>} : memref<2064xi32, #tpu.memory_space<vmem>>, vector<16xi32>,
        %eq3A_69 = arith.cmpi eq, %get3A_68, %get3A_28 : vector<16xi32>
        %or3A_70 = arith.ori %or3A_62, %eq3A_69 : vector<16xi1>
        %mul3A_71 = arith.constant 16 : i32
        %mul3A_72 = arith.muli %scan3A_25, %mul3A_71 : i32
        %add3A_73 = arith.constant 6 : i32
        %add3A_74 = arith.addi %mul3A_72, %add3A_73 : i32
        %get3A_75 = arith.index_cast %add3A_74 : i32 to index
        %get3A_76 = tpu.vector_load %arg6[%get3A_75] {strides = array<i32>} : memref<2064xi32, #tpu.memory_space<vmem>>, vector<16xi32>,
        %eq3A_77 = arith.cmpi eq, %get3A_76, %get3A_28 : vector<16xi32>
        %or3A_78 = arith.ori %or3A_70, %eq3A_77 : vector<16xi1>
        %mul3A_79 = arith.constant 16 : i32
        %mul3A_80 = arith.muli %scan3A_25, %mul3A_79 : i32
        %add3A_81 = arith.constant 7 : i32
        %add3A_82 = arith.addi %mul3A_80, %add3A_81 : i32
        %get3A_83 = arith.index_cast %add3A_82 : i32 to index
        %get3A_84 = tpu.vector_load %arg6[%get3A_83] {strides = array<i32>} : memref<2064xi32, #tpu.memory_space<vmem>>, vector<16xi32>,
        %eq3A_85 = arith.cmpi eq, %get3A_84, %get3A_28 : vector<16xi32>
        %or3A_86 = arith.ori %or3A_78, %eq3A_85 : vector<16xi1>
        %mul3A_87 = arith.constant 16 : i32
        %mul3A_88 = arith.muli %scan3A_25, %mul3A_87 : i32
        %add3A_89 = arith.constant 8 : i32
        %add3A_90 = arith.addi %mul3A_88, %add3A_89 : i32
        %get3A_91 = arith.index_cast %add3A_90 : i32 to index
        %get3A_92 = tpu.vector_load %arg6[%get3A_91] {strides = array<i32>} : memref<2064xi32, #tpu.memory_space<vmem>>, vector<16xi32>,
        %eq3A_93 = arith.cmpi eq, %get3A_92, %get3A_28 : vector<16xi32>
        %or3A_94 = arith.ori %or3A_86, %eq3A_93 : vector<16xi1>
        %mul3A_95 = arith.constant 16 : i32
        %mul3A_96 = arith.muli %scan3A_25, %mul3A_95 : i32
        %add3A_97 = arith.constant 9 : i32
        %add3A_98 = arith.addi %mul3A_96, %add3A_97 : i32
        %get3A_99 = arith.index_cast %add3A_98 : i32 to index
        %get3A_100 = tpu.vector_load %arg6[%get3A_99] {strides = array<i32>} : memref<2064xi32, #tpu.memory_space<vmem>>, vector<16xi32>,
        %eq3A_101 = arith.cmpi eq, %get3A_100, %get3A_28 : vector<16xi32>
        %or3A_102 = arith.ori %or3A_94, %eq3A_101 : vector<16xi1>
        %mul3A_103 = arith.constant 16 : i32
        %mul3A_104 = arith.muli %scan3A_25, %mul3A_103 : i32
        %add3A_105 = arith.constant 10 : i32
        %add3A_106 = arith.addi %mul3A_104, %add3A_105 : i32
        %get3A_107 = arith.index_cast %add3A_106 : i32 to index
        %get3A_108 = tpu.vector_load %arg6[%get3A_107] {strides = array<i32>} : memref<2064xi32, #tpu.memory_space<vmem>>, vector<16xi32>,
        %eq3A_109 = arith.cmpi eq, %get3A_108, %get3A_28 : vector<16xi32>
        %or3A_110 = arith.ori %or3A_102, %eq3A_109 : vector<16xi1>
        %mul3A_111 = arith.constant 16 : i32
        %mul3A_112 = arith.muli %scan3A_25, %mul3A_111 : i32
        %add3A_113 = arith.constant 11 : i32
        %add3A_114 = arith.addi %mul3A_112, %add3A_113 : i32
        %get3A_115 = arith.index_cast %add3A_114 : i32 to index
        %get3A_116 = tpu.vector_load %arg6[%get3A_115] {strides = array<i32>} : memref<2064xi32, #tpu.memory_space<vmem>>, vector<16xi32>,
        %eq3A_117 = arith.cmpi eq, %get3A_116, %get3A_28 : vector<16xi32>
        %or3A_118 = arith.ori %or3A_110, %eq3A_117 : vector<16xi1>
        %mul3A_119 = arith.constant 16 : i32
        %mul3A_120 = arith.muli %scan3A_25, %mul3A_119 : i32
        %add3A_121 = arith.constant 12 : i32
        %add3A_122 = arith.addi %mul3A_120, %add3A_121 : i32
        %get3A_123 = arith.index_cast %add3A_122 : i32 to index
        %get3A_124 = tpu.vector_load %arg6[%get3A_123] {strides = array<i32>} : memref<2064xi32, #tpu.memory_space<vmem>>, vector<16xi32>,
        %eq3A_125 = arith.cmpi eq, %get3A_124, %get3A_28 : vector<16xi32>
        %or3A_126 = arith.ori %or3A_118, %eq3A_125 : vector<16xi1>
        %mul3A_127 = arith.constant 16 : i32
        %mul3A_128 = arith.muli %scan3A_25, %mul3A_127 : i32
        %add3A_129 = arith.constant 13 : i32
        %add3A_130 = arith.addi %mul3A_128, %add3A_129 : i32
        %get3A_131 = arith.index_cast %add3A_130 : i32 to index
        %get3A_132 = tpu.vector_load %arg6[%get3A_131] {strides = array<i32>} : memref<2064xi32, #tpu.memory_space<vmem>>, vector<16xi32>,
        %eq3A_133 = arith.cmpi eq, %get3A_132, %get3A_28 : vector<16xi32>
        %or3A_134 = arith.ori %or3A_126, %eq3A_133 : vector<16xi1>
        %mul3A_135 = arith.constant 16 : i32
        %mul3A_136 = arith.muli %scan3A_25, %mul3A_135 : i32
        %add3A_137 = arith.constant 14 : i32
        %add3A_138 = arith.addi %mul3A_136, %add3A_137 : i32
        %get3A_139 = arith.index_cast %add3A_138 : i32 to index
        %get3A_140 = tpu.vector_load %arg6[%get3A_139] {strides = array<i32>} : memref<2064xi32, #tpu.memory_space<vmem>>, vector<16xi32>,
        %eq3A_141 = arith.cmpi eq, %get3A_140, %get3A_28 : vector<16xi32>
        %or3A_142 = arith.ori %or3A_134, %eq3A_141 : vector<16xi1>
        %mul3A_143 = arith.constant 16 : i32
        %mul3A_144 = arith.muli %scan3A_25, %mul3A_143 : i32
        %add3A_145 = arith.constant 15 : i32
        %add3A_146 = arith.addi %mul3A_144, %add3A_145 : i32
        %get3A_147 = arith.index_cast %add3A_146 : i32 to index
        %get3A_148 = tpu.vector_load %arg6[%get3A_147] {strides = array<i32>} : memref<2064xi32, #tpu.memory_space<vmem>>, vector<16xi32>,
        %eq3A_149 = arith.cmpi eq, %get3A_148, %get3A_28 : vector<16xi32>
        %or3A_150 = arith.ori %or3A_142, %eq3A_149 : vector<16xi1>
        %not3A = arith.constant dense<true> : vector<16xi1>
        %not3A_151 = arith.xori %or3A_150, %not3A : vector<16xi1>
        tpu.vector_store_idx %arg8[%get3A_28], %get3A_32 masked %not3A_151 : memref<2048xi32, #tpu.memory_space<vmem>>[vector<16xi32>], vector<16xi32>, vector<16xi1>
      }
      %scan3A_18 = arith.constant 128 : i32
      %scan3A_19 = arith.constant 0 : i32
      %scan3A_20 = arith.constant 0 : i32
      %scan3A_21 = arith.constant 256 : i32
      %scan3A_22 = arith.addi %scan3A_20, %scan3A_21 : i32
      %scan3A_23 = arith.constant 1 : i32
      scf.for %scan3A_25 = %scan3A_20 to %scan3A_22 step %scan3A_23  : i32 {
        %mul3A_26 = arith.constant 16 : i32
        %mul3A_27 = arith.muli %scan3A_25, %mul3A_26 : i32
        %get3A = arith.index_cast %mul3A_27 : i32 to index
        %get3A_28 = tpu.vector_load %arg9[%get3A] {strides = array<i32>} : memref<4096xi32, #tpu.memory_space<vmem>>, vector<16xi32>,
        %gather3A = tpu.vector_load_idx %arg8[%get3A_28] : memref<2048xi32, #tpu.memory_space<vmem>>[vector<16xi32>], vector<16xi32>,
        %mul3A_29 = arith.constant 16 : i32
        %mul3A_30 = arith.muli %scan3A_25, %mul3A_29 : i32
        %swap3A_31 = arith.index_cast %mul3A_30 : i32 to index
        %swap3A_32 = tpu.vector_load %arg10[%swap3A_31] {strides = array<i32>} : memref<4096xi32, #tpu.memory_space<vmem>>, vector<16xi32>,
        tpu.vector_store %arg10[%swap3A_31], %gather3A {strides = array<i32>} : memref<4096xi32, #tpu.memory_space<vmem>>, vector<16xi32>,
        %gather3A_33 = tpu.vector_load_idx %arg7[%get3A_28] : memref<2048xi32, #tpu.memory_space<vmem>>[vector<16xi32>], vector<16xi32>,
        %mul3A_34 = arith.constant 16 : i32
        %mul3A_35 = arith.muli %scan3A_25, %mul3A_34 : i32
        %swap3A_36 = arith.index_cast %mul3A_35 : i32 to index
        %swap3A_37 = tpu.vector_load %arg11[%swap3A_36] {strides = array<i32>} : memref<4096xi32, #tpu.memory_space<vmem>>, vector<16xi32>,
        tpu.vector_store %arg11[%swap3A_36], %gather3A_33 {strides = array<i32>} : memref<4096xi32, #tpu.memory_space<vmem>>, vector<16xi32>,
      }
      %scan3A_24 = arith.constant 256 : i32
      "tpu.region"() ({
        %run_scoped3A_25 = tpu.sem_alloc : memref<!tpu.dma_semaphore, #tpu.memory_space<semaphore_mem>>
        %dma_start3A = arith.constant 0 : i32
        %dma_start3A_26 = tpu.memref_slice %arg4[%add3A, %dma_start3A] : memref<6x4096xi32, #tpu.memory_space<hbm>> -> memref<1x4096xi32, #tpu.memory_space<hbm>>
        %dma_start3A_27 = tpu.memref_squeeze %dma_start3A_26 : memref<1x4096xi32, #tpu.memory_space<hbm>> -> memref<4096xi32, #tpu.memory_space<hbm>>
        %dma_start3A_28 = arith.constant 0 : i32
        %dma_start3A_29 = tpu.memref_slice %arg4[%add3A, %dma_start3A_28] : memref<6x4096xi32, #tpu.memory_space<hbm>> -> memref<1x4096xi32, #tpu.memory_space<hbm>>
        %dma_start3A_30 = tpu.memref_squeeze %dma_start3A_29 : memref<1x4096xi32, #tpu.memory_space<hbm>> -> memref<4096xi32, #tpu.memory_space<hbm>>
        tpu.enqueue_dma source(%arg10 : memref<4096xi32, #tpu.memory_space<vmem>>) target(%dma_start3A_30 : memref<4096xi32, #tpu.memory_space<hbm>>) target_semaphore(%run_scoped3A_25 : memref<!tpu.dma_semaphore, #tpu.memory_space<semaphore_mem>>)
        %dma_wait3A = arith.constant 0 : i32
        %dma_wait3A_31 = tpu.memref_slice %arg4[%add3A, %dma_wait3A] : memref<6x4096xi32, #tpu.memory_space<hbm>> -> memref<1x4096xi32, #tpu.memory_space<hbm>>
        %dma_wait3A_32 = tpu.memref_squeeze %dma_wait3A_31 : memref<1x4096xi32, #tpu.memory_space<hbm>> -> memref<4096xi32, #tpu.memory_space<hbm>>
        %dma_wait3A_33 = arith.constant 0 : i32
        %dma_wait3A_34 = tpu.memref_slice %arg4[%add3A, %dma_wait3A_33] : memref<6x4096xi32, #tpu.memory_space<hbm>> -> memref<1x4096xi32, #tpu.memory_space<hbm>>
        %dma_wait3A_35 = tpu.memref_squeeze %dma_wait3A_34 : memref<1x4096xi32, #tpu.memory_space<hbm>> -> memref<4096xi32, #tpu.memory_space<hbm>>
        tpu.wait_dma2 semaphore(%run_scoped3A_25 : memref<!tpu.dma_semaphore, #tpu.memory_space<semaphore_mem>>) src(%arg10 : memref<4096xi32, #tpu.memory_space<vmem>>) dst(%dma_wait3A_35 : memref<4096xi32, #tpu.memory_space<hbm>>)
        tpu.yield
      }) : () -> ()
      "tpu.region"() ({
        %run_scoped3A_25 = tpu.sem_alloc : memref<!tpu.dma_semaphore, #tpu.memory_space<semaphore_mem>>
        %dma_start3A = arith.constant 0 : i32
        %dma_start3A_26 = tpu.memref_slice %arg5[%add3A, %dma_start3A] : memref<6x4096xi32, #tpu.memory_space<hbm>> -> memref<1x4096xi32, #tpu.memory_space<hbm>>
        %dma_start3A_27 = tpu.memref_squeeze %dma_start3A_26 : memref<1x4096xi32, #tpu.memory_space<hbm>> -> memref<4096xi32, #tpu.memory_space<hbm>>
        %dma_start3A_28 = arith.constant 0 : i32
        %dma_start3A_29 = tpu.memref_slice %arg5[%add3A, %dma_start3A_28] : memref<6x4096xi32, #tpu.memory_space<hbm>> -> memref<1x4096xi32, #tpu.memory_space<hbm>>
        %dma_start3A_30 = tpu.memref_squeeze %dma_start3A_29 : memref<1x4096xi32, #tpu.memory_space<hbm>> -> memref<4096xi32, #tpu.memory_space<hbm>>
        tpu.enqueue_dma source(%arg11 : memref<4096xi32, #tpu.memory_space<vmem>>) target(%dma_start3A_30 : memref<4096xi32, #tpu.memory_space<hbm>>) target_semaphore(%run_scoped3A_25 : memref<!tpu.dma_semaphore, #tpu.memory_space<semaphore_mem>>)
        %dma_wait3A = arith.constant 0 : i32
        %dma_wait3A_31 = tpu.memref_slice %arg5[%add3A, %dma_wait3A] : memref<6x4096xi32, #tpu.memory_space<hbm>> -> memref<1x4096xi32, #tpu.memory_space<hbm>>
        %dma_wait3A_32 = tpu.memref_squeeze %dma_wait3A_31 : memref<1x4096xi32, #tpu.memory_space<hbm>> -> memref<4096xi32, #tpu.memory_space<hbm>>
        %dma_wait3A_33 = arith.constant 0 : i32
        %dma_wait3A_34 = tpu.memref_slice %arg5[%add3A, %dma_wait3A_33] : memref<6x4096xi32, #tpu.memory_space<hbm>> -> memref<1x4096xi32, #tpu.memory_space<hbm>>
        %dma_wait3A_35 = tpu.memref_squeeze %dma_wait3A_34 : memref<1x4096xi32, #tpu.memory_space<hbm>> -> memref<4096xi32, #tpu.memory_space<hbm>>
        tpu.wait_dma2 semaphore(%run_scoped3A_25 : memref<!tpu.dma_semaphore, #tpu.memory_space<semaphore_mem>>) src(%arg11 : memref<4096xi32, #tpu.memory_space<vmem>>) dst(%dma_wait3A_35 : memref<4096xi32, #tpu.memory_space<hbm>>)
        tpu.yield
      }) : () -> ()
    } else {
    }
    return
  }
}

module attributes {stable_mosaic.version = 14 : i64} {
  func.func @_tk_kernel(%arg0: i32, %arg1: i32, %arg2: memref<2049x8x256xbf16, #tpu.memory_space<vmem>>, %arg3: memref<3x256x512xbf16, #tpu.memory_space<vmem>>, %arg4: memref<8x512xf32, #tpu.memory_space<vmem>>, %arg5: memref<512x256xbf16, #tpu.memory_space<vmem>>, %arg6: memref<8x256xf32, #tpu.memory_space<vmem>>, %arg7: memref<1x3x1024xi32, #tpu.memory_space<smem>>, %arg8: memref<1x3x1024xi32, #tpu.memory_space<smem>>, %arg9: memref<2048x8x256xf32, #tpu.memory_space<vmem>>, %arg10: memref<3x1024x8x256xbf16, #tpu.memory_space<vmem>>, %arg11: memref<1024x8x256xf32, #tpu.memory_space<vmem>>) attributes {dimension_semantics = [#tpu.dimension_semantics<arbitrary>, #tpu.dimension_semantics<arbitrary>], iteration_bounds = array<i64: 2, 4>, scalar_prefetch = 0 : i64, scratch_operands = 2 : i64, tpu.core_type = #tpu.core_type<tc>, window_params = [{pipeline_mode = #tpu.pipeline_mode<synchronous>, transform_indices = @transform_0, window_bounds = array<i64: 2049, 8, 256>}, {pipeline_mode = #tpu.pipeline_mode<synchronous>, transform_indices = @transform_1, window_bounds = array<i64: 3, 256, 512>}, {pipeline_mode = #tpu.pipeline_mode<synchronous>, transform_indices = @transform_2, window_bounds = array<i64: 8, 512>}, {pipeline_mode = #tpu.pipeline_mode<synchronous>, transform_indices = @transform_3, window_bounds = array<i64: 512, 256>}, {pipeline_mode = #tpu.pipeline_mode<synchronous>, transform_indices = @transform_4, window_bounds = array<i64: 8, 256>}, {transform_indices = @transform_5, window_bounds = array<i64: 1, 3, 1024>}, {transform_indices = @transform_6, window_bounds = array<i64: 1, 3, 1024>}, {pipeline_mode = #tpu.pipeline_mode<synchronous>, transform_indices = @transform_7, window_bounds = array<i64: 2048, 8, 256>}]} {
    %eq3A = arith.constant 0 : i32
    %eq3A_0 = arith.cmpi eq, %arg0, %eq3A : i32
    %eq3A_1 = arith.constant 0 : i32
    %eq3A_2 = arith.cmpi eq, %arg1, %eq3A_1 : i32
    %and3A = arith.andi %eq3A_0, %eq3A_2 : i1
    %convert_element_type3A = arith.extui %and3A : i1 to i32
    %cond3A = arith.constant 0 : i32
    %cond3A_3 = arith.cmpi ne, %convert_element_type3A, %cond3A : i32
    scf.if %cond3A_3 {
      %broadcast_in_dim3A = arith.constant 0.000000e+00 : f32
      %broadcast_in_dim3A_75 = vector.broadcast %broadcast_in_dim3A : f32 to vector<2048x8x256xf32>
      %swap3A_76 = arith.constant 0 : index
      %swap3A_77 = arith.constant 0 : index
      %swap3A_78 = arith.constant 0 : index
      %swap3A_79 = vector.load %arg9[%swap3A_76, %swap3A_77, %swap3A_78] : memref<2048x8x256xf32, #tpu.memory_space<vmem>>, vector<2048x8x256xf32>
      tpu.vector_store %arg9[%swap3A_76, %swap3A_77, %swap3A_78], %broadcast_in_dim3A_75 {strides = array<i32>} : memref<2048x8x256xf32, #tpu.memory_space<vmem>>, vector<2048x8x256xf32>,
    } else {
    }
    %scan3A = arith.constant 0 : i32
    %scan3A_4 = arith.constant 64 : i32
    %scan3A_5 = arith.addi %scan3A, %scan3A_4 : i32
    %scan3A_6 = arith.constant 1 : i32
    scf.for %scan3A_75 = %scan3A to %scan3A_5 step %scan3A_6  : i32 {
      %mul3A = arith.constant 16 : i32
      %mul3A_76 = arith.muli %scan3A_75, %mul3A : i32
      %add3A_77 = arith.constant 0 : i32
      %add3A_78 = arith.addi %mul3A_76, %add3A_77 : i32
      %get3A_79 = arith.constant 0 : index
      %get3A_80 = arith.constant 0 : index
      %get3A_81 = arith.index_cast %add3A_78 : i32 to index
      %get3A_82 = memref.load %arg7[%get3A_79, %get3A_80, %get3A_81] : memref<1x3x1024xi32, #tpu.memory_space<smem>>
      %get3A_83 = arith.index_cast %get3A_82 : i32 to index
      %get3A_84 = arith.constant 0 : index
      %get3A_85 = arith.constant 0 : index
      %get3A_86 = vector.load %arg2[%get3A_83, %get3A_84, %get3A_85] : memref<2049x8x256xbf16, #tpu.memory_space<vmem>>, vector<1x8x256xbf16>
      %get3A_87 = vector.shape_cast %get3A_86 : vector<1x8x256xbf16> to vector<8x256xbf16>
      %swap3A_88 = arith.constant 0 : index
      %swap3A_89 = arith.index_cast %add3A_78 : i32 to index
      %swap3A_90 = arith.constant 0 : index
      %swap3A_91 = arith.constant 0 : index
      %swap3A_92 = vector.load %arg10[%swap3A_88, %swap3A_89, %swap3A_90, %swap3A_91] : memref<3x1024x8x256xbf16, #tpu.memory_space<vmem>>, vector<1x1x8x256xbf16>
      %swap3A_93 = vector.shape_cast %swap3A_92 : vector<1x1x8x256xbf16> to vector<8x256xbf16>
      %swap3A_94 = vector.shape_cast %get3A_87 : vector<8x256xbf16> to vector<1x1x8x256xbf16>
      tpu.vector_store %arg10[%swap3A_88, %swap3A_89, %swap3A_90, %swap3A_91], %swap3A_94 {strides = array<i32>} : memref<3x1024x8x256xbf16, #tpu.memory_space<vmem>>, vector<1x1x8x256xbf16>,
      %get3A_95 = arith.constant 0 : index
      %get3A_96 = arith.constant 1 : index
      %get3A_97 = arith.index_cast %add3A_78 : i32 to index
      %get3A_98 = memref.load %arg7[%get3A_95, %get3A_96, %get3A_97] : memref<1x3x1024xi32, #tpu.memory_space<smem>>
      %get3A_99 = arith.index_cast %get3A_98 : i32 to index
      %get3A_100 = arith.constant 0 : index
      %get3A_101 = arith.constant 0 : index
      %get3A_102 = vector.load %arg2[%get3A_99, %get3A_100, %get3A_101] : memref<2049x8x256xbf16, #tpu.memory_space<vmem>>, vector<1x8x256xbf16>
      %get3A_103 = vector.shape_cast %get3A_102 : vector<1x8x256xbf16> to vector<8x256xbf16>
      %swap3A_104 = arith.constant 1 : index
      %swap3A_105 = arith.index_cast %add3A_78 : i32 to index
      %swap3A_106 = arith.constant 0 : index
      %swap3A_107 = arith.constant 0 : index
      %swap3A_108 = vector.load %arg10[%swap3A_104, %swap3A_105, %swap3A_106, %swap3A_107] : memref<3x1024x8x256xbf16, #tpu.memory_space<vmem>>, vector<1x1x8x256xbf16>
      %swap3A_109 = vector.shape_cast %swap3A_108 : vector<1x1x8x256xbf16> to vector<8x256xbf16>
      %swap3A_110 = vector.shape_cast %get3A_103 : vector<8x256xbf16> to vector<1x1x8x256xbf16>
      tpu.vector_store %arg10[%swap3A_104, %swap3A_105, %swap3A_106, %swap3A_107], %swap3A_110 {strides = array<i32>} : memref<3x1024x8x256xbf16, #tpu.memory_space<vmem>>, vector<1x1x8x256xbf16>,
      %get3A_111 = arith.constant 0 : index
      %get3A_112 = arith.constant 2 : index
      %get3A_113 = arith.index_cast %add3A_78 : i32 to index
      %get3A_114 = memref.load %arg7[%get3A_111, %get3A_112, %get3A_113] : memref<1x3x1024xi32, #tpu.memory_space<smem>>
      %get3A_115 = arith.index_cast %get3A_114 : i32 to index
      %get3A_116 = arith.constant 0 : index
      %get3A_117 = arith.constant 0 : index
      %get3A_118 = vector.load %arg2[%get3A_115, %get3A_116, %get3A_117] : memref<2049x8x256xbf16, #tpu.memory_space<vmem>>, vector<1x8x256xbf16>
      %get3A_119 = vector.shape_cast %get3A_118 : vector<1x8x256xbf16> to vector<8x256xbf16>
      %swap3A_120 = arith.constant 2 : index
      %swap3A_121 = arith.index_cast %add3A_78 : i32 to index
      %swap3A_122 = arith.constant 0 : index
      %swap3A_123 = arith.constant 0 : index
      %swap3A_124 = vector.load %arg10[%swap3A_120, %swap3A_121, %swap3A_122, %swap3A_123] : memref<3x1024x8x256xbf16, #tpu.memory_space<vmem>>, vector<1x1x8x256xbf16>
      %swap3A_125 = vector.shape_cast %swap3A_124 : vector<1x1x8x256xbf16> to vector<8x256xbf16>
      %swap3A_126 = vector.shape_cast %get3A_119 : vector<8x256xbf16> to vector<1x1x8x256xbf16>
      tpu.vector_store %arg10[%swap3A_120, %swap3A_121, %swap3A_122, %swap3A_123], %swap3A_126 {strides = array<i32>} : memref<3x1024x8x256xbf16, #tpu.memory_space<vmem>>, vector<1x1x8x256xbf16>,
      %mul3A_127 = arith.constant 16 : i32
      %mul3A_128 = arith.muli %scan3A_75, %mul3A_127 : i32
      %add3A_129 = arith.constant 1 : i32
      %add3A_130 = arith.addi %mul3A_128, %add3A_129 : i32
      %get3A_131 = arith.constant 0 : index
      %get3A_132 = arith.constant 0 : index
      %get3A_133 = arith.index_cast %add3A_130 : i32 to index
      %get3A_134 = memref.load %arg7[%get3A_131, %get3A_132, %get3A_133] : memref<1x3x1024xi32, #tpu.memory_space<smem>>
      %get3A_135 = arith.index_cast %get3A_134 : i32 to index
      %get3A_136 = arith.constant 0 : index
      %get3A_137 = arith.constant 0 : index
      %get3A_138 = vector.load %arg2[%get3A_135, %get3A_136, %get3A_137] : memref<2049x8x256xbf16, #tpu.memory_space<vmem>>, vector<1x8x256xbf16>
      %get3A_139 = vector.shape_cast %get3A_138 : vector<1x8x256xbf16> to vector<8x256xbf16>
      %swap3A_140 = arith.constant 0 : index
      %swap3A_141 = arith.index_cast %add3A_130 : i32 to index
      %swap3A_142 = arith.constant 0 : index
      %swap3A_143 = arith.constant 0 : index
      %swap3A_144 = vector.load %arg10[%swap3A_140, %swap3A_141, %swap3A_142, %swap3A_143] : memref<3x1024x8x256xbf16, #tpu.memory_space<vmem>>, vector<1x1x8x256xbf16>
      %swap3A_145 = vector.shape_cast %swap3A_144 : vector<1x1x8x256xbf16> to vector<8x256xbf16>
      %swap3A_146 = vector.shape_cast %get3A_139 : vector<8x256xbf16> to vector<1x1x8x256xbf16>
      tpu.vector_store %arg10[%swap3A_140, %swap3A_141, %swap3A_142, %swap3A_143], %swap3A_146 {strides = array<i32>} : memref<3x1024x8x256xbf16, #tpu.memory_space<vmem>>, vector<1x1x8x256xbf16>,
      %get3A_147 = arith.constant 0 : index
      %get3A_148 = arith.constant 1 : index
      %get3A_149 = arith.index_cast %add3A_130 : i32 to index
      %get3A_150 = memref.load %arg7[%get3A_147, %get3A_148, %get3A_149] : memref<1x3x1024xi32, #tpu.memory_space<smem>>
      %get3A_151 = arith.index_cast %get3A_150 : i32 to index
      %get3A_152 = arith.constant 0 : index
      %get3A_153 = arith.constant 0 : index
      %get3A_154 = vector.load %arg2[%get3A_151, %get3A_152, %get3A_153] : memref<2049x8x256xbf16, #tpu.memory_space<vmem>>, vector<1x8x256xbf16>
      %get3A_155 = vector.shape_cast %get3A_154 : vector<1x8x256xbf16> to vector<8x256xbf16>
      %swap3A_156 = arith.constant 1 : index
      %swap3A_157 = arith.index_cast %add3A_130 : i32 to index
      %swap3A_158 = arith.constant 0 : index
      %swap3A_159 = arith.constant 0 : index
      %swap3A_160 = vector.load %arg10[%swap3A_156, %swap3A_157, %swap3A_158, %swap3A_159] : memref<3x1024x8x256xbf16, #tpu.memory_space<vmem>>, vector<1x1x8x256xbf16>
      %swap3A_161 = vector.shape_cast %swap3A_160 : vector<1x1x8x256xbf16> to vector<8x256xbf16>
      %swap3A_162 = vector.shape_cast %get3A_155 : vector<8x256xbf16> to vector<1x1x8x256xbf16>
      tpu.vector_store %arg10[%swap3A_156, %swap3A_157, %swap3A_158, %swap3A_159], %swap3A_162 {strides = array<i32>} : memref<3x1024x8x256xbf16, #tpu.memory_space<vmem>>, vector<1x1x8x256xbf16>,
      %get3A_163 = arith.constant 0 : index
      %get3A_164 = arith.constant 2 : index
      %get3A_165 = arith.index_cast %add3A_130 : i32 to index
      %get3A_166 = memref.load %arg7[%get3A_163, %get3A_164, %get3A_165] : memref<1x3x1024xi32, #tpu.memory_space<smem>>
      %get3A_167 = arith.index_cast %get3A_166 : i32 to index
      %get3A_168 = arith.constant 0 : index
      %get3A_169 = arith.constant 0 : index
      %get3A_170 = vector.load %arg2[%get3A_167, %get3A_168, %get3A_169] : memref<2049x8x256xbf16, #tpu.memory_space<vmem>>, vector<1x8x256xbf16>
      %get3A_171 = vector.shape_cast %get3A_170 : vector<1x8x256xbf16> to vector<8x256xbf16>
      %swap3A_172 = arith.constant 2 : index
      %swap3A_173 = arith.index_cast %add3A_130 : i32 to index
      %swap3A_174 = arith.constant 0 : index
      %swap3A_175 = arith.constant 0 : index
      %swap3A_176 = vector.load %arg10[%swap3A_172, %swap3A_173, %swap3A_174, %swap3A_175] : memref<3x1024x8x256xbf16, #tpu.memory_space<vmem>>, vector<1x1x8x256xbf16>
      %swap3A_177 = vector.shape_cast %swap3A_176 : vector<1x1x8x256xbf16> to vector<8x256xbf16>
      %swap3A_178 = vector.shape_cast %get3A_171 : vector<8x256xbf16> to vector<1x1x8x256xbf16>
      tpu.vector_store %arg10[%swap3A_172, %swap3A_173, %swap3A_174, %swap3A_175], %swap3A_178 {strides = array<i32>} : memref<3x1024x8x256xbf16, #tpu.memory_space<vmem>>, vector<1x1x8x256xbf16>,
      %mul3A_179 = arith.constant 16 : i32
      %mul3A_180 = arith.muli %scan3A_75, %mul3A_179 : i32
      %add3A_181 = arith.constant 2 : i32
      %add3A_182 = arith.addi %mul3A_180, %add3A_181 : i32
      %get3A_183 = arith.constant 0 : index
      %get3A_184 = arith.constant 0 : index
      %get3A_185 = arith.index_cast %add3A_182 : i32 to index
      %get3A_186 = memref.load %arg7[%get3A_183, %get3A_184, %get3A_185] : memref<1x3x1024xi32, #tpu.memory_space<smem>>
      %get3A_187 = arith.index_cast %get3A_186 : i32 to index
      %get3A_188 = arith.constant 0 : index
      %get3A_189 = arith.constant 0 : index
      %get3A_190 = vector.load %arg2[%get3A_187, %get3A_188, %get3A_189] : memref<2049x8x256xbf16, #tpu.memory_space<vmem>>, vector<1x8x256xbf16>
      %get3A_191 = vector.shape_cast %get3A_190 : vector<1x8x256xbf16> to vector<8x256xbf16>
      %swap3A_192 = arith.constant 0 : index
      %swap3A_193 = arith.index_cast %add3A_182 : i32 to index
      %swap3A_194 = arith.constant 0 : index
      %swap3A_195 = arith.constant 0 : index
      %swap3A_196 = vector.load %arg10[%swap3A_192, %swap3A_193, %swap3A_194, %swap3A_195] : memref<3x1024x8x256xbf16, #tpu.memory_space<vmem>>, vector<1x1x8x256xbf16>
      %swap3A_197 = vector.shape_cast %swap3A_196 : vector<1x1x8x256xbf16> to vector<8x256xbf16>
      %swap3A_198 = vector.shape_cast %get3A_191 : vector<8x256xbf16> to vector<1x1x8x256xbf16>
      tpu.vector_store %arg10[%swap3A_192, %swap3A_193, %swap3A_194, %swap3A_195], %swap3A_198 {strides = array<i32>} : memref<3x1024x8x256xbf16, #tpu.memory_space<vmem>>, vector<1x1x8x256xbf16>,
      %get3A_199 = arith.constant 0 : index
      %get3A_200 = arith.constant 1 : index
      %get3A_201 = arith.index_cast %add3A_182 : i32 to index
      %get3A_202 = memref.load %arg7[%get3A_199, %get3A_200, %get3A_201] : memref<1x3x1024xi32, #tpu.memory_space<smem>>
      %get3A_203 = arith.index_cast %get3A_202 : i32 to index
      %get3A_204 = arith.constant 0 : index
      %get3A_205 = arith.constant 0 : index
      %get3A_206 = vector.load %arg2[%get3A_203, %get3A_204, %get3A_205] : memref<2049x8x256xbf16, #tpu.memory_space<vmem>>, vector<1x8x256xbf16>
      %get3A_207 = vector.shape_cast %get3A_206 : vector<1x8x256xbf16> to vector<8x256xbf16>
      %swap3A_208 = arith.constant 1 : index
      %swap3A_209 = arith.index_cast %add3A_182 : i32 to index
      %swap3A_210 = arith.constant 0 : index
      %swap3A_211 = arith.constant 0 : index
      %swap3A_212 = vector.load %arg10[%swap3A_208, %swap3A_209, %swap3A_210, %swap3A_211] : memref<3x1024x8x256xbf16, #tpu.memory_space<vmem>>, vector<1x1x8x256xbf16>
      %swap3A_213 = vector.shape_cast %swap3A_212 : vector<1x1x8x256xbf16> to vector<8x256xbf16>
      %swap3A_214 = vector.shape_cast %get3A_207 : vector<8x256xbf16> to vector<1x1x8x256xbf16>
      tpu.vector_store %arg10[%swap3A_208, %swap3A_209, %swap3A_210, %swap3A_211], %swap3A_214 {strides = array<i32>} : memref<3x1024x8x256xbf16, #tpu.memory_space<vmem>>, vector<1x1x8x256xbf16>,
      %get3A_215 = arith.constant 0 : index
      %get3A_216 = arith.constant 2 : index
      %get3A_217 = arith.index_cast %add3A_182 : i32 to index
      %get3A_218 = memref.load %arg7[%get3A_215, %get3A_216, %get3A_217] : memref<1x3x1024xi32, #tpu.memory_space<smem>>
      %get3A_219 = arith.index_cast %get3A_218 : i32 to index
      %get3A_220 = arith.constant 0 : index
      %get3A_221 = arith.constant 0 : index
      %get3A_222 = vector.load %arg2[%get3A_219, %get3A_220, %get3A_221] : memref<2049x8x256xbf16, #tpu.memory_space<vmem>>, vector<1x8x256xbf16>
      %get3A_223 = vector.shape_cast %get3A_222 : vector<1x8x256xbf16> to vector<8x256xbf16>
      %swap3A_224 = arith.constant 2 : index
      %swap3A_225 = arith.index_cast %add3A_182 : i32 to index
      %swap3A_226 = arith.constant 0 : index
      %swap3A_227 = arith.constant 0 : index
      %swap3A_228 = vector.load %arg10[%swap3A_224, %swap3A_225, %swap3A_226, %swap3A_227] : memref<3x1024x8x256xbf16, #tpu.memory_space<vmem>>, vector<1x1x8x256xbf16>
      %swap3A_229 = vector.shape_cast %swap3A_228 : vector<1x1x8x256xbf16> to vector<8x256xbf16>
      %swap3A_230 = vector.shape_cast %get3A_223 : vector<8x256xbf16> to vector<1x1x8x256xbf16>
      tpu.vector_store %arg10[%swap3A_224, %swap3A_225, %swap3A_226, %swap3A_227], %swap3A_230 {strides = array<i32>} : memref<3x1024x8x256xbf16, #tpu.memory_space<vmem>>, vector<1x1x8x256xbf16>,
      %mul3A_231 = arith.constant 16 : i32
      %mul3A_232 = arith.muli %scan3A_75, %mul3A_231 : i32
      %add3A_233 = arith.constant 3 : i32
      %add3A_234 = arith.addi %mul3A_232, %add3A_233 : i32
      %get3A_235 = arith.constant 0 : index
      %get3A_236 = arith.constant 0 : index
      %get3A_237 = arith.index_cast %add3A_234 : i32 to index
      %get3A_238 = memref.load %arg7[%get3A_235, %get3A_236, %get3A_237] : memref<1x3x1024xi32, #tpu.memory_space<smem>>
      %get3A_239 = arith.index_cast %get3A_238 : i32 to index
      %get3A_240 = arith.constant 0 : index
      %get3A_241 = arith.constant 0 : index
      %get3A_242 = vector.load %arg2[%get3A_239, %get3A_240, %get3A_241] : memref<2049x8x256xbf16, #tpu.memory_space<vmem>>, vector<1x8x256xbf16>
      %get3A_243 = vector.shape_cast %get3A_242 : vector<1x8x256xbf16> to vector<8x256xbf16>
      %swap3A_244 = arith.constant 0 : index
      %swap3A_245 = arith.index_cast %add3A_234 : i32 to index
      %swap3A_246 = arith.constant 0 : index
      %swap3A_247 = arith.constant 0 : index
      %swap3A_248 = vector.load %arg10[%swap3A_244, %swap3A_245, %swap3A_246, %swap3A_247] : memref<3x1024x8x256xbf16, #tpu.memory_space<vmem>>, vector<1x1x8x256xbf16>
      %swap3A_249 = vector.shape_cast %swap3A_248 : vector<1x1x8x256xbf16> to vector<8x256xbf16>
      %swap3A_250 = vector.shape_cast %get3A_243 : vector<8x256xbf16> to vector<1x1x8x256xbf16>
      tpu.vector_store %arg10[%swap3A_244, %swap3A_245, %swap3A_246, %swap3A_247], %swap3A_250 {strides = array<i32>} : memref<3x1024x8x256xbf16, #tpu.memory_space<vmem>>, vector<1x1x8x256xbf16>,
      %get3A_251 = arith.constant 0 : index
      %get3A_252 = arith.constant 1 : index
      %get3A_253 = arith.index_cast %add3A_234 : i32 to index
      %get3A_254 = memref.load %arg7[%get3A_251, %get3A_252, %get3A_253] : memref<1x3x1024xi32, #tpu.memory_space<smem>>
      %get3A_255 = arith.index_cast %get3A_254 : i32 to index
      %get3A_256 = arith.constant 0 : index
      %get3A_257 = arith.constant 0 : index
      %get3A_258 = vector.load %arg2[%get3A_255, %get3A_256, %get3A_257] : memref<2049x8x256xbf16, #tpu.memory_space<vmem>>, vector<1x8x256xbf16>
      %get3A_259 = vector.shape_cast %get3A_258 : vector<1x8x256xbf16> to vector<8x256xbf16>
      %swap3A_260 = arith.constant 1 : index
      %swap3A_261 = arith.index_cast %add3A_234 : i32 to index
      %swap3A_262 = arith.constant 0 : index
      %swap3A_263 = arith.constant 0 : index
      %swap3A_264 = vector.load %arg10[%swap3A_260, %swap3A_261, %swap3A_262, %swap3A_263] : memref<3x1024x8x256xbf16, #tpu.memory_space<vmem>>, vector<1x1x8x256xbf16>
      %swap3A_265 = vector.shape_cast %swap3A_264 : vector<1x1x8x256xbf16> to vector<8x256xbf16>
      %swap3A_266 = vector.shape_cast %get3A_259 : vector<8x256xbf16> to vector<1x1x8x256xbf16>
      tpu.vector_store %arg10[%swap3A_260, %swap3A_261, %swap3A_262, %swap3A_263], %swap3A_266 {strides = array<i32>} : memref<3x1024x8x256xbf16, #tpu.memory_space<vmem>>, vector<1x1x8x256xbf16>,
      %get3A_267 = arith.constant 0 : index
      %get3A_268 = arith.constant 2 : index
      %get3A_269 = arith.index_cast %add3A_234 : i32 to index
      %get3A_270 = memref.load %arg7[%get3A_267, %get3A_268, %get3A_269] : memref<1x3x1024xi32, #tpu.memory_space<smem>>
      %get3A_271 = arith.index_cast %get3A_270 : i32 to index
      %get3A_272 = arith.constant 0 : index
      %get3A_273 = arith.constant 0 : index
      %get3A_274 = vector.load %arg2[%get3A_271, %get3A_272, %get3A_273] : memref<2049x8x256xbf16, #tpu.memory_space<vmem>>, vector<1x8x256xbf16>
      %get3A_275 = vector.shape_cast %get3A_274 : vector<1x8x256xbf16> to vector<8x256xbf16>
      %swap3A_276 = arith.constant 2 : index
      %swap3A_277 = arith.index_cast %add3A_234 : i32 to index
      %swap3A_278 = arith.constant 0 : index
      %swap3A_279 = arith.constant 0 : index
      %swap3A_280 = vector.load %arg10[%swap3A_276, %swap3A_277, %swap3A_278, %swap3A_279] : memref<3x1024x8x256xbf16, #tpu.memory_space<vmem>>, vector<1x1x8x256xbf16>
      %swap3A_281 = vector.shape_cast %swap3A_280 : vector<1x1x8x256xbf16> to vector<8x256xbf16>
      %swap3A_282 = vector.shape_cast %get3A_275 : vector<8x256xbf16> to vector<1x1x8x256xbf16>
      tpu.vector_store %arg10[%swap3A_276, %swap3A_277, %swap3A_278, %swap3A_279], %swap3A_282 {strides = array<i32>} : memref<3x1024x8x256xbf16, #tpu.memory_space<vmem>>, vector<1x1x8x256xbf16>,
      %mul3A_283 = arith.constant 16 : i32
      %mul3A_284 = arith.muli %scan3A_75, %mul3A_283 : i32
      %add3A_285 = arith.constant 4 : i32
      %add3A_286 = arith.addi %mul3A_284, %add3A_285 : i32
      %get3A_287 = arith.constant 0 : index
      %get3A_288 = arith.constant 0 : index
      %get3A_289 = arith.index_cast %add3A_286 : i32 to index
      %get3A_290 = memref.load %arg7[%get3A_287, %get3A_288, %get3A_289] : memref<1x3x1024xi32, #tpu.memory_space<smem>>
      %get3A_291 = arith.index_cast %get3A_290 : i32 to index
      %get3A_292 = arith.constant 0 : index
      %get3A_293 = arith.constant 0 : index
      %get3A_294 = vector.load %arg2[%get3A_291, %get3A_292, %get3A_293] : memref<2049x8x256xbf16, #tpu.memory_space<vmem>>, vector<1x8x256xbf16>
      %get3A_295 = vector.shape_cast %get3A_294 : vector<1x8x256xbf16> to vector<8x256xbf16>
      %swap3A_296 = arith.constant 0 : index
      %swap3A_297 = arith.index_cast %add3A_286 : i32 to index
      %swap3A_298 = arith.constant 0 : index
      %swap3A_299 = arith.constant 0 : index
      %swap3A_300 = vector.load %arg10[%swap3A_296, %swap3A_297, %swap3A_298, %swap3A_299] : memref<3x1024x8x256xbf16, #tpu.memory_space<vmem>>, vector<1x1x8x256xbf16>
      %swap3A_301 = vector.shape_cast %swap3A_300 : vector<1x1x8x256xbf16> to vector<8x256xbf16>
      %swap3A_302 = vector.shape_cast %get3A_295 : vector<8x256xbf16> to vector<1x1x8x256xbf16>
      tpu.vector_store %arg10[%swap3A_296, %swap3A_297, %swap3A_298, %swap3A_299], %swap3A_302 {strides = array<i32>} : memref<3x1024x8x256xbf16, #tpu.memory_space<vmem>>, vector<1x1x8x256xbf16>,
      %get3A_303 = arith.constant 0 : index
      %get3A_304 = arith.constant 1 : index
      %get3A_305 = arith.index_cast %add3A_286 : i32 to index
      %get3A_306 = memref.load %arg7[%get3A_303, %get3A_304, %get3A_305] : memref<1x3x1024xi32, #tpu.memory_space<smem>>
      %get3A_307 = arith.index_cast %get3A_306 : i32 to index
      %get3A_308 = arith.constant 0 : index
      %get3A_309 = arith.constant 0 : index
      %get3A_310 = vector.load %arg2[%get3A_307, %get3A_308, %get3A_309] : memref<2049x8x256xbf16, #tpu.memory_space<vmem>>, vector<1x8x256xbf16>
      %get3A_311 = vector.shape_cast %get3A_310 : vector<1x8x256xbf16> to vector<8x256xbf16>
      %swap3A_312 = arith.constant 1 : index
      %swap3A_313 = arith.index_cast %add3A_286 : i32 to index
      %swap3A_314 = arith.constant 0 : index
      %swap3A_315 = arith.constant 0 : index
      %swap3A_316 = vector.load %arg10[%swap3A_312, %swap3A_313, %swap3A_314, %swap3A_315] : memref<3x1024x8x256xbf16, #tpu.memory_space<vmem>>, vector<1x1x8x256xbf16>
      %swap3A_317 = vector.shape_cast %swap3A_316 : vector<1x1x8x256xbf16> to vector<8x256xbf16>
      %swap3A_318 = vector.shape_cast %get3A_311 : vector<8x256xbf16> to vector<1x1x8x256xbf16>
      tpu.vector_store %arg10[%swap3A_312, %swap3A_313, %swap3A_314, %swap3A_315], %swap3A_318 {strides = array<i32>} : memref<3x1024x8x256xbf16, #tpu.memory_space<vmem>>, vector<1x1x8x256xbf16>,
      %get3A_319 = arith.constant 0 : index
      %get3A_320 = arith.constant 2 : index
      %get3A_321 = arith.index_cast %add3A_286 : i32 to index
      %get3A_322 = memref.load %arg7[%get3A_319, %get3A_320, %get3A_321] : memref<1x3x1024xi32, #tpu.memory_space<smem>>
      %get3A_323 = arith.index_cast %get3A_322 : i32 to index
      %get3A_324 = arith.constant 0 : index
      %get3A_325 = arith.constant 0 : index
      %get3A_326 = vector.load %arg2[%get3A_323, %get3A_324, %get3A_325] : memref<2049x8x256xbf16, #tpu.memory_space<vmem>>, vector<1x8x256xbf16>
      %get3A_327 = vector.shape_cast %get3A_326 : vector<1x8x256xbf16> to vector<8x256xbf16>
      %swap3A_328 = arith.constant 2 : index
      %swap3A_329 = arith.index_cast %add3A_286 : i32 to index
      %swap3A_330 = arith.constant 0 : index
      %swap3A_331 = arith.constant 0 : index
      %swap3A_332 = vector.load %arg10[%swap3A_328, %swap3A_329, %swap3A_330, %swap3A_331] : memref<3x1024x8x256xbf16, #tpu.memory_space<vmem>>, vector<1x1x8x256xbf16>
      %swap3A_333 = vector.shape_cast %swap3A_332 : vector<1x1x8x256xbf16> to vector<8x256xbf16>
      %swap3A_334 = vector.shape_cast %get3A_327 : vector<8x256xbf16> to vector<1x1x8x256xbf16>
      tpu.vector_store %arg10[%swap3A_328, %swap3A_329, %swap3A_330, %swap3A_331], %swap3A_334 {strides = array<i32>} : memref<3x1024x8x256xbf16, #tpu.memory_space<vmem>>, vector<1x1x8x256xbf16>,
      %mul3A_335 = arith.constant 16 : i32
      %mul3A_336 = arith.muli %scan3A_75, %mul3A_335 : i32
      %add3A_337 = arith.constant 5 : i32
      %add3A_338 = arith.addi %mul3A_336, %add3A_337 : i32
      %get3A_339 = arith.constant 0 : index
      %get3A_340 = arith.constant 0 : index
      %get3A_341 = arith.index_cast %add3A_338 : i32 to index
      %get3A_342 = memref.load %arg7[%get3A_339, %get3A_340, %get3A_341] : memref<1x3x1024xi32, #tpu.memory_space<smem>>
      %get3A_343 = arith.index_cast %get3A_342 : i32 to index
      %get3A_344 = arith.constant 0 : index
      %get3A_345 = arith.constant 0 : index
      %get3A_346 = vector.load %arg2[%get3A_343, %get3A_344, %get3A_345] : memref<2049x8x256xbf16, #tpu.memory_space<vmem>>, vector<1x8x256xbf16>
      %get3A_347 = vector.shape_cast %get3A_346 : vector<1x8x256xbf16> to vector<8x256xbf16>
      %swap3A_348 = arith.constant 0 : index
      %swap3A_349 = arith.index_cast %add3A_338 : i32 to index
      %swap3A_350 = arith.constant 0 : index
      %swap3A_351 = arith.constant 0 : index
      %swap3A_352 = vector.load %arg10[%swap3A_348, %swap3A_349, %swap3A_350, %swap3A_351] : memref<3x1024x8x256xbf16, #tpu.memory_space<vmem>>, vector<1x1x8x256xbf16>
      %swap3A_353 = vector.shape_cast %swap3A_352 : vector<1x1x8x256xbf16> to vector<8x256xbf16>
      %swap3A_354 = vector.shape_cast %get3A_347 : vector<8x256xbf16> to vector<1x1x8x256xbf16>
      tpu.vector_store %arg10[%swap3A_348, %swap3A_349, %swap3A_350, %swap3A_351], %swap3A_354 {strides = array<i32>} : memref<3x1024x8x256xbf16, #tpu.memory_space<vmem>>, vector<1x1x8x256xbf16>,
      %get3A_355 = arith.constant 0 : index
      %get3A_356 = arith.constant 1 : index
      %get3A_357 = arith.index_cast %add3A_338 : i32 to index
      %get3A_358 = memref.load %arg7[%get3A_355, %get3A_356, %get3A_357] : memref<1x3x1024xi32, #tpu.memory_space<smem>>
      %get3A_359 = arith.index_cast %get3A_358 : i32 to index
      %get3A_360 = arith.constant 0 : index
      %get3A_361 = arith.constant 0 : index
      %get3A_362 = vector.load %arg2[%get3A_359, %get3A_360, %get3A_361] : memref<2049x8x256xbf16, #tpu.memory_space<vmem>>, vector<1x8x256xbf16>
      %get3A_363 = vector.shape_cast %get3A_362 : vector<1x8x256xbf16> to vector<8x256xbf16>
      %swap3A_364 = arith.constant 1 : index
      %swap3A_365 = arith.index_cast %add3A_338 : i32 to index
      %swap3A_366 = arith.constant 0 : index
      %swap3A_367 = arith.constant 0 : index
      %swap3A_368 = vector.load %arg10[%swap3A_364, %swap3A_365, %swap3A_366, %swap3A_367] : memref<3x1024x8x256xbf16, #tpu.memory_space<vmem>>, vector<1x1x8x256xbf16>
      %swap3A_369 = vector.shape_cast %swap3A_368 : vector<1x1x8x256xbf16> to vector<8x256xbf16>
      %swap3A_370 = vector.shape_cast %get3A_363 : vector<8x256xbf16> to vector<1x1x8x256xbf16>
      tpu.vector_store %arg10[%swap3A_364, %swap3A_365, %swap3A_366, %swap3A_367], %swap3A_370 {strides = array<i32>} : memref<3x1024x8x256xbf16, #tpu.memory_space<vmem>>, vector<1x1x8x256xbf16>,
      %get3A_371 = arith.constant 0 : index
      %get3A_372 = arith.constant 2 : index
      %get3A_373 = arith.index_cast %add3A_338 : i32 to index
      %get3A_374 = memref.load %arg7[%get3A_371, %get3A_372, %get3A_373] : memref<1x3x1024xi32, #tpu.memory_space<smem>>
      %get3A_375 = arith.index_cast %get3A_374 : i32 to index
      %get3A_376 = arith.constant 0 : index
      %get3A_377 = arith.constant 0 : index
      %get3A_378 = vector.load %arg2[%get3A_375, %get3A_376, %get3A_377] : memref<2049x8x256xbf16, #tpu.memory_space<vmem>>, vector<1x8x256xbf16>
      %get3A_379 = vector.shape_cast %get3A_378 : vector<1x8x256xbf16> to vector<8x256xbf16>
      %swap3A_380 = arith.constant 2 : index
      %swap3A_381 = arith.index_cast %add3A_338 : i32 to index
      %swap3A_382 = arith.constant 0 : index
      %swap3A_383 = arith.constant 0 : index
      %swap3A_384 = vector.load %arg10[%swap3A_380, %swap3A_381, %swap3A_382, %swap3A_383] : memref<3x1024x8x256xbf16, #tpu.memory_space<vmem>>, vector<1x1x8x256xbf16>
      %swap3A_385 = vector.shape_cast %swap3A_384 : vector<1x1x8x256xbf16> to vector<8x256xbf16>
      %swap3A_386 = vector.shape_cast %get3A_379 : vector<8x256xbf16> to vector<1x1x8x256xbf16>
      tpu.vector_store %arg10[%swap3A_380, %swap3A_381, %swap3A_382, %swap3A_383], %swap3A_386 {strides = array<i32>} : memref<3x1024x8x256xbf16, #tpu.memory_space<vmem>>, vector<1x1x8x256xbf16>,
      %mul3A_387 = arith.constant 16 : i32
      %mul3A_388 = arith.muli %scan3A_75, %mul3A_387 : i32
      %add3A_389 = arith.constant 6 : i32
      %add3A_390 = arith.addi %mul3A_388, %add3A_389 : i32
      %get3A_391 = arith.constant 0 : index
      %get3A_392 = arith.constant 0 : index
      %get3A_393 = arith.index_cast %add3A_390 : i32 to index
      %get3A_394 = memref.load %arg7[%get3A_391, %get3A_392, %get3A_393] : memref<1x3x1024xi32, #tpu.memory_space<smem>>
      %get3A_395 = arith.index_cast %get3A_394 : i32 to index
      %get3A_396 = arith.constant 0 : index
      %get3A_397 = arith.constant 0 : index
      %get3A_398 = vector.load %arg2[%get3A_395, %get3A_396, %get3A_397] : memref<2049x8x256xbf16, #tpu.memory_space<vmem>>, vector<1x8x256xbf16>
      %get3A_399 = vector.shape_cast %get3A_398 : vector<1x8x256xbf16> to vector<8x256xbf16>
      %swap3A_400 = arith.constant 0 : index
      %swap3A_401 = arith.index_cast %add3A_390 : i32 to index
      %swap3A_402 = arith.constant 0 : index
      %swap3A_403 = arith.constant 0 : index
      %swap3A_404 = vector.load %arg10[%swap3A_400, %swap3A_401, %swap3A_402, %swap3A_403] : memref<3x1024x8x256xbf16, #tpu.memory_space<vmem>>, vector<1x1x8x256xbf16>
      %swap3A_405 = vector.shape_cast %swap3A_404 : vector<1x1x8x256xbf16> to vector<8x256xbf16>
      %swap3A_406 = vector.shape_cast %get3A_399 : vector<8x256xbf16> to vector<1x1x8x256xbf16>
      tpu.vector_store %arg10[%swap3A_400, %swap3A_401, %swap3A_402, %swap3A_403], %swap3A_406 {strides = array<i32>} : memref<3x1024x8x256xbf16, #tpu.memory_space<vmem>>, vector<1x1x8x256xbf16>,
      %get3A_407 = arith.constant 0 : index
      %get3A_408 = arith.constant 1 : index
      %get3A_409 = arith.index_cast %add3A_390 : i32 to index
      %get3A_410 = memref.load %arg7[%get3A_407, %get3A_408, %get3A_409] : memref<1x3x1024xi32, #tpu.memory_space<smem>>
      %get3A_411 = arith.index_cast %get3A_410 : i32 to index
      %get3A_412 = arith.constant 0 : index
      %get3A_413 = arith.constant 0 : index
      %get3A_414 = vector.load %arg2[%get3A_411, %get3A_412, %get3A_413] : memref<2049x8x256xbf16, #tpu.memory_space<vmem>>, vector<1x8x256xbf16>
      %get3A_415 = vector.shape_cast %get3A_414 : vector<1x8x256xbf16> to vector<8x256xbf16>
      %swap3A_416 = arith.constant 1 : index
      %swap3A_417 = arith.index_cast %add3A_390 : i32 to index
      %swap3A_418 = arith.constant 0 : index
      %swap3A_419 = arith.constant 0 : index
      %swap3A_420 = vector.load %arg10[%swap3A_416, %swap3A_417, %swap3A_418, %swap3A_419] : memref<3x1024x8x256xbf16, #tpu.memory_space<vmem>>, vector<1x1x8x256xbf16>
      %swap3A_421 = vector.shape_cast %swap3A_420 : vector<1x1x8x256xbf16> to vector<8x256xbf16>
      %swap3A_422 = vector.shape_cast %get3A_415 : vector<8x256xbf16> to vector<1x1x8x256xbf16>
      tpu.vector_store %arg10[%swap3A_416, %swap3A_417, %swap3A_418, %swap3A_419], %swap3A_422 {strides = array<i32>} : memref<3x1024x8x256xbf16, #tpu.memory_space<vmem>>, vector<1x1x8x256xbf16>,
      %get3A_423 = arith.constant 0 : index
      %get3A_424 = arith.constant 2 : index
      %get3A_425 = arith.index_cast %add3A_390 : i32 to index
      %get3A_426 = memref.load %arg7[%get3A_423, %get3A_424, %get3A_425] : memref<1x3x1024xi32, #tpu.memory_space<smem>>
      %get3A_427 = arith.index_cast %get3A_426 : i32 to index
      %get3A_428 = arith.constant 0 : index
      %get3A_429 = arith.constant 0 : index
      %get3A_430 = vector.load %arg2[%get3A_427, %get3A_428, %get3A_429] : memref<2049x8x256xbf16, #tpu.memory_space<vmem>>, vector<1x8x256xbf16>
      %get3A_431 = vector.shape_cast %get3A_430 : vector<1x8x256xbf16> to vector<8x256xbf16>
      %swap3A_432 = arith.constant 2 : index
      %swap3A_433 = arith.index_cast %add3A_390 : i32 to index
      %swap3A_434 = arith.constant 0 : index
      %swap3A_435 = arith.constant 0 : index
      %swap3A_436 = vector.load %arg10[%swap3A_432, %swap3A_433, %swap3A_434, %swap3A_435] : memref<3x1024x8x256xbf16, #tpu.memory_space<vmem>>, vector<1x1x8x256xbf16>
      %swap3A_437 = vector.shape_cast %swap3A_436 : vector<1x1x8x256xbf16> to vector<8x256xbf16>
      %swap3A_438 = vector.shape_cast %get3A_431 : vector<8x256xbf16> to vector<1x1x8x256xbf16>
      tpu.vector_store %arg10[%swap3A_432, %swap3A_433, %swap3A_434, %swap3A_435], %swap3A_438 {strides = array<i32>} : memref<3x1024x8x256xbf16, #tpu.memory_space<vmem>>, vector<1x1x8x256xbf16>,
      %mul3A_439 = arith.constant 16 : i32
      %mul3A_440 = arith.muli %scan3A_75, %mul3A_439 : i32
      %add3A_441 = arith.constant 7 : i32
      %add3A_442 = arith.addi %mul3A_440, %add3A_441 : i32
      %get3A_443 = arith.constant 0 : index
      %get3A_444 = arith.constant 0 : index
      %get3A_445 = arith.index_cast %add3A_442 : i32 to index
      %get3A_446 = memref.load %arg7[%get3A_443, %get3A_444, %get3A_445] : memref<1x3x1024xi32, #tpu.memory_space<smem>>
      %get3A_447 = arith.index_cast %get3A_446 : i32 to index
      %get3A_448 = arith.constant 0 : index
      %get3A_449 = arith.constant 0 : index
      %get3A_450 = vector.load %arg2[%get3A_447, %get3A_448, %get3A_449] : memref<2049x8x256xbf16, #tpu.memory_space<vmem>>, vector<1x8x256xbf16>
      %get3A_451 = vector.shape_cast %get3A_450 : vector<1x8x256xbf16> to vector<8x256xbf16>
      %swap3A_452 = arith.constant 0 : index
      %swap3A_453 = arith.index_cast %add3A_442 : i32 to index
      %swap3A_454 = arith.constant 0 : index
      %swap3A_455 = arith.constant 0 : index
      %swap3A_456 = vector.load %arg10[%swap3A_452, %swap3A_453, %swap3A_454, %swap3A_455] : memref<3x1024x8x256xbf16, #tpu.memory_space<vmem>>, vector<1x1x8x256xbf16>
      %swap3A_457 = vector.shape_cast %swap3A_456 : vector<1x1x8x256xbf16> to vector<8x256xbf16>
      %swap3A_458 = vector.shape_cast %get3A_451 : vector<8x256xbf16> to vector<1x1x8x256xbf16>
      tpu.vector_store %arg10[%swap3A_452, %swap3A_453, %swap3A_454, %swap3A_455], %swap3A_458 {strides = array<i32>} : memref<3x1024x8x256xbf16, #tpu.memory_space<vmem>>, vector<1x1x8x256xbf16>,
      %get3A_459 = arith.constant 0 : index
      %get3A_460 = arith.constant 1 : index
      %get3A_461 = arith.index_cast %add3A_442 : i32 to index
      %get3A_462 = memref.load %arg7[%get3A_459, %get3A_460, %get3A_461] : memref<1x3x1024xi32, #tpu.memory_space<smem>>
      %get3A_463 = arith.index_cast %get3A_462 : i32 to index
      %get3A_464 = arith.constant 0 : index
      %get3A_465 = arith.constant 0 : index
      %get3A_466 = vector.load %arg2[%get3A_463, %get3A_464, %get3A_465] : memref<2049x8x256xbf16, #tpu.memory_space<vmem>>, vector<1x8x256xbf16>
      %get3A_467 = vector.shape_cast %get3A_466 : vector<1x8x256xbf16> to vector<8x256xbf16>
      %swap3A_468 = arith.constant 1 : index
      %swap3A_469 = arith.index_cast %add3A_442 : i32 to index
      %swap3A_470 = arith.constant 0 : index
      %swap3A_471 = arith.constant 0 : index
      %swap3A_472 = vector.load %arg10[%swap3A_468, %swap3A_469, %swap3A_470, %swap3A_471] : memref<3x1024x8x256xbf16, #tpu.memory_space<vmem>>, vector<1x1x8x256xbf16>
      %swap3A_473 = vector.shape_cast %swap3A_472 : vector<1x1x8x256xbf16> to vector<8x256xbf16>
      %swap3A_474 = vector.shape_cast %get3A_467 : vector<8x256xbf16> to vector<1x1x8x256xbf16>
      tpu.vector_store %arg10[%swap3A_468, %swap3A_469, %swap3A_470, %swap3A_471], %swap3A_474 {strides = array<i32>} : memref<3x1024x8x256xbf16, #tpu.memory_space<vmem>>, vector<1x1x8x256xbf16>,
      %get3A_475 = arith.constant 0 : index
      %get3A_476 = arith.constant 2 : index
      %get3A_477 = arith.index_cast %add3A_442 : i32 to index
      %get3A_478 = memref.load %arg7[%get3A_475, %get3A_476, %get3A_477] : memref<1x3x1024xi32, #tpu.memory_space<smem>>
      %get3A_479 = arith.index_cast %get3A_478 : i32 to index
      %get3A_480 = arith.constant 0 : index
      %get3A_481 = arith.constant 0 : index
      %get3A_482 = vector.load %arg2[%get3A_479, %get3A_480, %get3A_481] : memref<2049x8x256xbf16, #tpu.memory_space<vmem>>, vector<1x8x256xbf16>
      %get3A_483 = vector.shape_cast %get3A_482 : vector<1x8x256xbf16> to vector<8x256xbf16>
      %swap3A_484 = arith.constant 2 : index
      %swap3A_485 = arith.index_cast %add3A_442 : i32 to index
      %swap3A_486 = arith.constant 0 : index
      %swap3A_487 = arith.constant 0 : index
      %swap3A_488 = vector.load %arg10[%swap3A_484, %swap3A_485, %swap3A_486, %swap3A_487] : memref<3x1024x8x256xbf16, #tpu.memory_space<vmem>>, vector<1x1x8x256xbf16>
      %swap3A_489 = vector.shape_cast %swap3A_488 : vector<1x1x8x256xbf16> to vector<8x256xbf16>
      %swap3A_490 = vector.shape_cast %get3A_483 : vector<8x256xbf16> to vector<1x1x8x256xbf16>
      tpu.vector_store %arg10[%swap3A_484, %swap3A_485, %swap3A_486, %swap3A_487], %swap3A_490 {strides = array<i32>} : memref<3x1024x8x256xbf16, #tpu.memory_space<vmem>>, vector<1x1x8x256xbf16>,
      %mul3A_491 = arith.constant 16 : i32
      %mul3A_492 = arith.muli %scan3A_75, %mul3A_491 : i32
      %add3A_493 = arith.constant 8 : i32
      %add3A_494 = arith.addi %mul3A_492, %add3A_493 : i32
      %get3A_495 = arith.constant 0 : index
      %get3A_496 = arith.constant 0 : index
      %get3A_497 = arith.index_cast %add3A_494 : i32 to index
      %get3A_498 = memref.load %arg7[%get3A_495, %get3A_496, %get3A_497] : memref<1x3x1024xi32, #tpu.memory_space<smem>>
      %get3A_499 = arith.index_cast %get3A_498 : i32 to index
      %get3A_500 = arith.constant 0 : index
      %get3A_501 = arith.constant 0 : index
      %get3A_502 = vector.load %arg2[%get3A_499, %get3A_500, %get3A_501] : memref<2049x8x256xbf16, #tpu.memory_space<vmem>>, vector<1x8x256xbf16>
      %get3A_503 = vector.shape_cast %get3A_502 : vector<1x8x256xbf16> to vector<8x256xbf16>
      %swap3A_504 = arith.constant 0 : index
      %swap3A_505 = arith.index_cast %add3A_494 : i32 to index
      %swap3A_506 = arith.constant 0 : index
      %swap3A_507 = arith.constant 0 : index
      %swap3A_508 = vector.load %arg10[%swap3A_504, %swap3A_505, %swap3A_506, %swap3A_507] : memref<3x1024x8x256xbf16, #tpu.memory_space<vmem>>, vector<1x1x8x256xbf16>
      %swap3A_509 = vector.shape_cast %swap3A_508 : vector<1x1x8x256xbf16> to vector<8x256xbf16>
      %swap3A_510 = vector.shape_cast %get3A_503 : vector<8x256xbf16> to vector<1x1x8x256xbf16>
      tpu.vector_store %arg10[%swap3A_504, %swap3A_505, %swap3A_506, %swap3A_507], %swap3A_510 {strides = array<i32>} : memref<3x1024x8x256xbf16, #tpu.memory_space<vmem>>, vector<1x1x8x256xbf16>,
      %get3A_511 = arith.constant 0 : index
      %get3A_512 = arith.constant 1 : index
      %get3A_513 = arith.index_cast %add3A_494 : i32 to index
      %get3A_514 = memref.load %arg7[%get3A_511, %get3A_512, %get3A_513] : memref<1x3x1024xi32, #tpu.memory_space<smem>>
      %get3A_515 = arith.index_cast %get3A_514 : i32 to index
      %get3A_516 = arith.constant 0 : index
      %get3A_517 = arith.constant 0 : index
      %get3A_518 = vector.load %arg2[%get3A_515, %get3A_516, %get3A_517] : memref<2049x8x256xbf16, #tpu.memory_space<vmem>>, vector<1x8x256xbf16>
      %get3A_519 = vector.shape_cast %get3A_518 : vector<1x8x256xbf16> to vector<8x256xbf16>
      %swap3A_520 = arith.constant 1 : index
      %swap3A_521 = arith.index_cast %add3A_494 : i32 to index
      %swap3A_522 = arith.constant 0 : index
      %swap3A_523 = arith.constant 0 : index
      %swap3A_524 = vector.load %arg10[%swap3A_520, %swap3A_521, %swap3A_522, %swap3A_523] : memref<3x1024x8x256xbf16, #tpu.memory_space<vmem>>, vector<1x1x8x256xbf16>
      %swap3A_525 = vector.shape_cast %swap3A_524 : vector<1x1x8x256xbf16> to vector<8x256xbf16>
      %swap3A_526 = vector.shape_cast %get3A_519 : vector<8x256xbf16> to vector<1x1x8x256xbf16>
      tpu.vector_store %arg10[%swap3A_520, %swap3A_521, %swap3A_522, %swap3A_523], %swap3A_526 {strides = array<i32>} : memref<3x1024x8x256xbf16, #tpu.memory_space<vmem>>, vector<1x1x8x256xbf16>,
      %get3A_527 = arith.constant 0 : index
      %get3A_528 = arith.constant 2 : index
      %get3A_529 = arith.index_cast %add3A_494 : i32 to index
      %get3A_530 = memref.load %arg7[%get3A_527, %get3A_528, %get3A_529] : memref<1x3x1024xi32, #tpu.memory_space<smem>>
      %get3A_531 = arith.index_cast %get3A_530 : i32 to index
      %get3A_532 = arith.constant 0 : index
      %get3A_533 = arith.constant 0 : index
      %get3A_534 = vector.load %arg2[%get3A_531, %get3A_532, %get3A_533] : memref<2049x8x256xbf16, #tpu.memory_space<vmem>>, vector<1x8x256xbf16>
      %get3A_535 = vector.shape_cast %get3A_534 : vector<1x8x256xbf16> to vector<8x256xbf16>
      %swap3A_536 = arith.constant 2 : index
      %swap3A_537 = arith.index_cast %add3A_494 : i32 to index
      %swap3A_538 = arith.constant 0 : index
      %swap3A_539 = arith.constant 0 : index
      %swap3A_540 = vector.load %arg10[%swap3A_536, %swap3A_537, %swap3A_538, %swap3A_539] : memref<3x1024x8x256xbf16, #tpu.memory_space<vmem>>, vector<1x1x8x256xbf16>
      %swap3A_541 = vector.shape_cast %swap3A_540 : vector<1x1x8x256xbf16> to vector<8x256xbf16>
      %swap3A_542 = vector.shape_cast %get3A_535 : vector<8x256xbf16> to vector<1x1x8x256xbf16>
      tpu.vector_store %arg10[%swap3A_536, %swap3A_537, %swap3A_538, %swap3A_539], %swap3A_542 {strides = array<i32>} : memref<3x1024x8x256xbf16, #tpu.memory_space<vmem>>, vector<1x1x8x256xbf16>,
      %mul3A_543 = arith.constant 16 : i32
      %mul3A_544 = arith.muli %scan3A_75, %mul3A_543 : i32
      %add3A_545 = arith.constant 9 : i32
      %add3A_546 = arith.addi %mul3A_544, %add3A_545 : i32
      %get3A_547 = arith.constant 0 : index
      %get3A_548 = arith.constant 0 : index
      %get3A_549 = arith.index_cast %add3A_546 : i32 to index
      %get3A_550 = memref.load %arg7[%get3A_547, %get3A_548, %get3A_549] : memref<1x3x1024xi32, #tpu.memory_space<smem>>
      %get3A_551 = arith.index_cast %get3A_550 : i32 to index
      %get3A_552 = arith.constant 0 : index
      %get3A_553 = arith.constant 0 : index
      %get3A_554 = vector.load %arg2[%get3A_551, %get3A_552, %get3A_553] : memref<2049x8x256xbf16, #tpu.memory_space<vmem>>, vector<1x8x256xbf16>
      %get3A_555 = vector.shape_cast %get3A_554 : vector<1x8x256xbf16> to vector<8x256xbf16>
      %swap3A_556 = arith.constant 0 : index
      %swap3A_557 = arith.index_cast %add3A_546 : i32 to index
      %swap3A_558 = arith.constant 0 : index
      %swap3A_559 = arith.constant 0 : index
      %swap3A_560 = vector.load %arg10[%swap3A_556, %swap3A_557, %swap3A_558, %swap3A_559] : memref<3x1024x8x256xbf16, #tpu.memory_space<vmem>>, vector<1x1x8x256xbf16>
      %swap3A_561 = vector.shape_cast %swap3A_560 : vector<1x1x8x256xbf16> to vector<8x256xbf16>
      %swap3A_562 = vector.shape_cast %get3A_555 : vector<8x256xbf16> to vector<1x1x8x256xbf16>
      tpu.vector_store %arg10[%swap3A_556, %swap3A_557, %swap3A_558, %swap3A_559], %swap3A_562 {strides = array<i32>} : memref<3x1024x8x256xbf16, #tpu.memory_space<vmem>>, vector<1x1x8x256xbf16>,
      %get3A_563 = arith.constant 0 : index
      %get3A_564 = arith.constant 1 : index
      %get3A_565 = arith.index_cast %add3A_546 : i32 to index
      %get3A_566 = memref.load %arg7[%get3A_563, %get3A_564, %get3A_565] : memref<1x3x1024xi32, #tpu.memory_space<smem>>
      %get3A_567 = arith.index_cast %get3A_566 : i32 to index
      %get3A_568 = arith.constant 0 : index
      %get3A_569 = arith.constant 0 : index
      %get3A_570 = vector.load %arg2[%get3A_567, %get3A_568, %get3A_569] : memref<2049x8x256xbf16, #tpu.memory_space<vmem>>, vector<1x8x256xbf16>
      %get3A_571 = vector.shape_cast %get3A_570 : vector<1x8x256xbf16> to vector<8x256xbf16>
      %swap3A_572 = arith.constant 1 : index
      %swap3A_573 = arith.index_cast %add3A_546 : i32 to index
      %swap3A_574 = arith.constant 0 : index
      %swap3A_575 = arith.constant 0 : index
      %swap3A_576 = vector.load %arg10[%swap3A_572, %swap3A_573, %swap3A_574, %swap3A_575] : memref<3x1024x8x256xbf16, #tpu.memory_space<vmem>>, vector<1x1x8x256xbf16>
      %swap3A_577 = vector.shape_cast %swap3A_576 : vector<1x1x8x256xbf16> to vector<8x256xbf16>
      %swap3A_578 = vector.shape_cast %get3A_571 : vector<8x256xbf16> to vector<1x1x8x256xbf16>
      tpu.vector_store %arg10[%swap3A_572, %swap3A_573, %swap3A_574, %swap3A_575], %swap3A_578 {strides = array<i32>} : memref<3x1024x8x256xbf16, #tpu.memory_space<vmem>>, vector<1x1x8x256xbf16>,
      %get3A_579 = arith.constant 0 : index
      %get3A_580 = arith.constant 2 : index
      %get3A_581 = arith.index_cast %add3A_546 : i32 to index
      %get3A_582 = memref.load %arg7[%get3A_579, %get3A_580, %get3A_581] : memref<1x3x1024xi32, #tpu.memory_space<smem>>
      %get3A_583 = arith.index_cast %get3A_582 : i32 to index
      %get3A_584 = arith.constant 0 : index
      %get3A_585 = arith.constant 0 : index
      %get3A_586 = vector.load %arg2[%get3A_583, %get3A_584, %get3A_585] : memref<2049x8x256xbf16, #tpu.memory_space<vmem>>, vector<1x8x256xbf16>
      %get3A_587 = vector.shape_cast %get3A_586 : vector<1x8x256xbf16> to vector<8x256xbf16>
      %swap3A_588 = arith.constant 2 : index
      %swap3A_589 = arith.index_cast %add3A_546 : i32 to index
      %swap3A_590 = arith.constant 0 : index
      %swap3A_591 = arith.constant 0 : index
      %swap3A_592 = vector.load %arg10[%swap3A_588, %swap3A_589, %swap3A_590, %swap3A_591] : memref<3x1024x8x256xbf16, #tpu.memory_space<vmem>>, vector<1x1x8x256xbf16>
      %swap3A_593 = vector.shape_cast %swap3A_592 : vector<1x1x8x256xbf16> to vector<8x256xbf16>
      %swap3A_594 = vector.shape_cast %get3A_587 : vector<8x256xbf16> to vector<1x1x8x256xbf16>
      tpu.vector_store %arg10[%swap3A_588, %swap3A_589, %swap3A_590, %swap3A_591], %swap3A_594 {strides = array<i32>} : memref<3x1024x8x256xbf16, #tpu.memory_space<vmem>>, vector<1x1x8x256xbf16>,
      %mul3A_595 = arith.constant 16 : i32
      %mul3A_596 = arith.muli %scan3A_75, %mul3A_595 : i32
      %add3A_597 = arith.constant 10 : i32
      %add3A_598 = arith.addi %mul3A_596, %add3A_597 : i32
      %get3A_599 = arith.constant 0 : index
      %get3A_600 = arith.constant 0 : index
      %get3A_601 = arith.index_cast %add3A_598 : i32 to index
      %get3A_602 = memref.load %arg7[%get3A_599, %get3A_600, %get3A_601] : memref<1x3x1024xi32, #tpu.memory_space<smem>>
      %get3A_603 = arith.index_cast %get3A_602 : i32 to index
      %get3A_604 = arith.constant 0 : index
      %get3A_605 = arith.constant 0 : index
      %get3A_606 = vector.load %arg2[%get3A_603, %get3A_604, %get3A_605] : memref<2049x8x256xbf16, #tpu.memory_space<vmem>>, vector<1x8x256xbf16>
      %get3A_607 = vector.shape_cast %get3A_606 : vector<1x8x256xbf16> to vector<8x256xbf16>
      %swap3A_608 = arith.constant 0 : index
      %swap3A_609 = arith.index_cast %add3A_598 : i32 to index
      %swap3A_610 = arith.constant 0 : index
      %swap3A_611 = arith.constant 0 : index
      %swap3A_612 = vector.load %arg10[%swap3A_608, %swap3A_609, %swap3A_610, %swap3A_611] : memref<3x1024x8x256xbf16, #tpu.memory_space<vmem>>, vector<1x1x8x256xbf16>
      %swap3A_613 = vector.shape_cast %swap3A_612 : vector<1x1x8x256xbf16> to vector<8x256xbf16>
      %swap3A_614 = vector.shape_cast %get3A_607 : vector<8x256xbf16> to vector<1x1x8x256xbf16>
      tpu.vector_store %arg10[%swap3A_608, %swap3A_609, %swap3A_610, %swap3A_611], %swap3A_614 {strides = array<i32>} : memref<3x1024x8x256xbf16, #tpu.memory_space<vmem>>, vector<1x1x8x256xbf16>,
      %get3A_615 = arith.constant 0 : index
      %get3A_616 = arith.constant 1 : index
      %get3A_617 = arith.index_cast %add3A_598 : i32 to index
      %get3A_618 = memref.load %arg7[%get3A_615, %get3A_616, %get3A_617] : memref<1x3x1024xi32, #tpu.memory_space<smem>>
      %get3A_619 = arith.index_cast %get3A_618 : i32 to index
      %get3A_620 = arith.constant 0 : index
      %get3A_621 = arith.constant 0 : index
      %get3A_622 = vector.load %arg2[%get3A_619, %get3A_620, %get3A_621] : memref<2049x8x256xbf16, #tpu.memory_space<vmem>>, vector<1x8x256xbf16>
      %get3A_623 = vector.shape_cast %get3A_622 : vector<1x8x256xbf16> to vector<8x256xbf16>
      %swap3A_624 = arith.constant 1 : index
      %swap3A_625 = arith.index_cast %add3A_598 : i32 to index
      %swap3A_626 = arith.constant 0 : index
      %swap3A_627 = arith.constant 0 : index
      %swap3A_628 = vector.load %arg10[%swap3A_624, %swap3A_625, %swap3A_626, %swap3A_627] : memref<3x1024x8x256xbf16, #tpu.memory_space<vmem>>, vector<1x1x8x256xbf16>
      %swap3A_629 = vector.shape_cast %swap3A_628 : vector<1x1x8x256xbf16> to vector<8x256xbf16>
      %swap3A_630 = vector.shape_cast %get3A_623 : vector<8x256xbf16> to vector<1x1x8x256xbf16>
      tpu.vector_store %arg10[%swap3A_624, %swap3A_625, %swap3A_626, %swap3A_627], %swap3A_630 {strides = array<i32>} : memref<3x1024x8x256xbf16, #tpu.memory_space<vmem>>, vector<1x1x8x256xbf16>,
      %get3A_631 = arith.constant 0 : index
      %get3A_632 = arith.constant 2 : index
      %get3A_633 = arith.index_cast %add3A_598 : i32 to index
      %get3A_634 = memref.load %arg7[%get3A_631, %get3A_632, %get3A_633] : memref<1x3x1024xi32, #tpu.memory_space<smem>>
      %get3A_635 = arith.index_cast %get3A_634 : i32 to index
      %get3A_636 = arith.constant 0 : index
      %get3A_637 = arith.constant 0 : index
      %get3A_638 = vector.load %arg2[%get3A_635, %get3A_636, %get3A_637] : memref<2049x8x256xbf16, #tpu.memory_space<vmem>>, vector<1x8x256xbf16>
      %get3A_639 = vector.shape_cast %get3A_638 : vector<1x8x256xbf16> to vector<8x256xbf16>
      %swap3A_640 = arith.constant 2 : index
      %swap3A_641 = arith.index_cast %add3A_598 : i32 to index
      %swap3A_642 = arith.constant 0 : index
      %swap3A_643 = arith.constant 0 : index
      %swap3A_644 = vector.load %arg10[%swap3A_640, %swap3A_641, %swap3A_642, %swap3A_643] : memref<3x1024x8x256xbf16, #tpu.memory_space<vmem>>, vector<1x1x8x256xbf16>
      %swap3A_645 = vector.shape_cast %swap3A_644 : vector<1x1x8x256xbf16> to vector<8x256xbf16>
      %swap3A_646 = vector.shape_cast %get3A_639 : vector<8x256xbf16> to vector<1x1x8x256xbf16>
      tpu.vector_store %arg10[%swap3A_640, %swap3A_641, %swap3A_642, %swap3A_643], %swap3A_646 {strides = array<i32>} : memref<3x1024x8x256xbf16, #tpu.memory_space<vmem>>, vector<1x1x8x256xbf16>,
      %mul3A_647 = arith.constant 16 : i32
      %mul3A_648 = arith.muli %scan3A_75, %mul3A_647 : i32
      %add3A_649 = arith.constant 11 : i32
      %add3A_650 = arith.addi %mul3A_648, %add3A_649 : i32
      %get3A_651 = arith.constant 0 : index
      %get3A_652 = arith.constant 0 : index
      %get3A_653 = arith.index_cast %add3A_650 : i32 to index
      %get3A_654 = memref.load %arg7[%get3A_651, %get3A_652, %get3A_653] : memref<1x3x1024xi32, #tpu.memory_space<smem>>
      %get3A_655 = arith.index_cast %get3A_654 : i32 to index
      %get3A_656 = arith.constant 0 : index
      %get3A_657 = arith.constant 0 : index
      %get3A_658 = vector.load %arg2[%get3A_655, %get3A_656, %get3A_657] : memref<2049x8x256xbf16, #tpu.memory_space<vmem>>, vector<1x8x256xbf16>
      %get3A_659 = vector.shape_cast %get3A_658 : vector<1x8x256xbf16> to vector<8x256xbf16>
      %swap3A_660 = arith.constant 0 : index
      %swap3A_661 = arith.index_cast %add3A_650 : i32 to index
      %swap3A_662 = arith.constant 0 : index
      %swap3A_663 = arith.constant 0 : index
      %swap3A_664 = vector.load %arg10[%swap3A_660, %swap3A_661, %swap3A_662, %swap3A_663] : memref<3x1024x8x256xbf16, #tpu.memory_space<vmem>>, vector<1x1x8x256xbf16>
      %swap3A_665 = vector.shape_cast %swap3A_664 : vector<1x1x8x256xbf16> to vector<8x256xbf16>
      %swap3A_666 = vector.shape_cast %get3A_659 : vector<8x256xbf16> to vector<1x1x8x256xbf16>
      tpu.vector_store %arg10[%swap3A_660, %swap3A_661, %swap3A_662, %swap3A_663], %swap3A_666 {strides = array<i32>} : memref<3x1024x8x256xbf16, #tpu.memory_space<vmem>>, vector<1x1x8x256xbf16>,
      %get3A_667 = arith.constant 0 : index
      %get3A_668 = arith.constant 1 : index
      %get3A_669 = arith.index_cast %add3A_650 : i32 to index
      %get3A_670 = memref.load %arg7[%get3A_667, %get3A_668, %get3A_669] : memref<1x3x1024xi32, #tpu.memory_space<smem>>
      %get3A_671 = arith.index_cast %get3A_670 : i32 to index
      %get3A_672 = arith.constant 0 : index
      %get3A_673 = arith.constant 0 : index
      %get3A_674 = vector.load %arg2[%get3A_671, %get3A_672, %get3A_673] : memref<2049x8x256xbf16, #tpu.memory_space<vmem>>, vector<1x8x256xbf16>
      %get3A_675 = vector.shape_cast %get3A_674 : vector<1x8x256xbf16> to vector<8x256xbf16>
      %swap3A_676 = arith.constant 1 : index
      %swap3A_677 = arith.index_cast %add3A_650 : i32 to index
      %swap3A_678 = arith.constant 0 : index
      %swap3A_679 = arith.constant 0 : index
      %swap3A_680 = vector.load %arg10[%swap3A_676, %swap3A_677, %swap3A_678, %swap3A_679] : memref<3x1024x8x256xbf16, #tpu.memory_space<vmem>>, vector<1x1x8x256xbf16>
      %swap3A_681 = vector.shape_cast %swap3A_680 : vector<1x1x8x256xbf16> to vector<8x256xbf16>
      %swap3A_682 = vector.shape_cast %get3A_675 : vector<8x256xbf16> to vector<1x1x8x256xbf16>
      tpu.vector_store %arg10[%swap3A_676, %swap3A_677, %swap3A_678, %swap3A_679], %swap3A_682 {strides = array<i32>} : memref<3x1024x8x256xbf16, #tpu.memory_space<vmem>>, vector<1x1x8x256xbf16>,
      %get3A_683 = arith.constant 0 : index
      %get3A_684 = arith.constant 2 : index
      %get3A_685 = arith.index_cast %add3A_650 : i32 to index
      %get3A_686 = memref.load %arg7[%get3A_683, %get3A_684, %get3A_685] : memref<1x3x1024xi32, #tpu.memory_space<smem>>
      %get3A_687 = arith.index_cast %get3A_686 : i32 to index
      %get3A_688 = arith.constant 0 : index
      %get3A_689 = arith.constant 0 : index
      %get3A_690 = vector.load %arg2[%get3A_687, %get3A_688, %get3A_689] : memref<2049x8x256xbf16, #tpu.memory_space<vmem>>, vector<1x8x256xbf16>
      %get3A_691 = vector.shape_cast %get3A_690 : vector<1x8x256xbf16> to vector<8x256xbf16>
      %swap3A_692 = arith.constant 2 : index
      %swap3A_693 = arith.index_cast %add3A_650 : i32 to index
      %swap3A_694 = arith.constant 0 : index
      %swap3A_695 = arith.constant 0 : index
      %swap3A_696 = vector.load %arg10[%swap3A_692, %swap3A_693, %swap3A_694, %swap3A_695] : memref<3x1024x8x256xbf16, #tpu.memory_space<vmem>>, vector<1x1x8x256xbf16>
      %swap3A_697 = vector.shape_cast %swap3A_696 : vector<1x1x8x256xbf16> to vector<8x256xbf16>
      %swap3A_698 = vector.shape_cast %get3A_691 : vector<8x256xbf16> to vector<1x1x8x256xbf16>
      tpu.vector_store %arg10[%swap3A_692, %swap3A_693, %swap3A_694, %swap3A_695], %swap3A_698 {strides = array<i32>} : memref<3x1024x8x256xbf16, #tpu.memory_space<vmem>>, vector<1x1x8x256xbf16>,
      %mul3A_699 = arith.constant 16 : i32
      %mul3A_700 = arith.muli %scan3A_75, %mul3A_699 : i32
      %add3A_701 = arith.constant 12 : i32
      %add3A_702 = arith.addi %mul3A_700, %add3A_701 : i32
      %get3A_703 = arith.constant 0 : index
      %get3A_704 = arith.constant 0 : index
      %get3A_705 = arith.index_cast %add3A_702 : i32 to index
      %get3A_706 = memref.load %arg7[%get3A_703, %get3A_704, %get3A_705] : memref<1x3x1024xi32, #tpu.memory_space<smem>>
      %get3A_707 = arith.index_cast %get3A_706 : i32 to index
      %get3A_708 = arith.constant 0 : index
      %get3A_709 = arith.constant 0 : index
      %get3A_710 = vector.load %arg2[%get3A_707, %get3A_708, %get3A_709] : memref<2049x8x256xbf16, #tpu.memory_space<vmem>>, vector<1x8x256xbf16>
      %get3A_711 = vector.shape_cast %get3A_710 : vector<1x8x256xbf16> to vector<8x256xbf16>
      %swap3A_712 = arith.constant 0 : index
      %swap3A_713 = arith.index_cast %add3A_702 : i32 to index
      %swap3A_714 = arith.constant 0 : index
      %swap3A_715 = arith.constant 0 : index
      %swap3A_716 = vector.load %arg10[%swap3A_712, %swap3A_713, %swap3A_714, %swap3A_715] : memref<3x1024x8x256xbf16, #tpu.memory_space<vmem>>, vector<1x1x8x256xbf16>
      %swap3A_717 = vector.shape_cast %swap3A_716 : vector<1x1x8x256xbf16> to vector<8x256xbf16>
      %swap3A_718 = vector.shape_cast %get3A_711 : vector<8x256xbf16> to vector<1x1x8x256xbf16>
      tpu.vector_store %arg10[%swap3A_712, %swap3A_713, %swap3A_714, %swap3A_715], %swap3A_718 {strides = array<i32>} : memref<3x1024x8x256xbf16, #tpu.memory_space<vmem>>, vector<1x1x8x256xbf16>,
      %get3A_719 = arith.constant 0 : index
      %get3A_720 = arith.constant 1 : index
      %get3A_721 = arith.index_cast %add3A_702 : i32 to index
      %get3A_722 = memref.load %arg7[%get3A_719, %get3A_720, %get3A_721] : memref<1x3x1024xi32, #tpu.memory_space<smem>>
      %get3A_723 = arith.index_cast %get3A_722 : i32 to index
      %get3A_724 = arith.constant 0 : index
      %get3A_725 = arith.constant 0 : index
      %get3A_726 = vector.load %arg2[%get3A_723, %get3A_724, %get3A_725] : memref<2049x8x256xbf16, #tpu.memory_space<vmem>>, vector<1x8x256xbf16>
      %get3A_727 = vector.shape_cast %get3A_726 : vector<1x8x256xbf16> to vector<8x256xbf16>
      %swap3A_728 = arith.constant 1 : index
      %swap3A_729 = arith.index_cast %add3A_702 : i32 to index
      %swap3A_730 = arith.constant 0 : index
      %swap3A_731 = arith.constant 0 : index
      %swap3A_732 = vector.load %arg10[%swap3A_728, %swap3A_729, %swap3A_730, %swap3A_731] : memref<3x1024x8x256xbf16, #tpu.memory_space<vmem>>, vector<1x1x8x256xbf16>
      %swap3A_733 = vector.shape_cast %swap3A_732 : vector<1x1x8x256xbf16> to vector<8x256xbf16>
      %swap3A_734 = vector.shape_cast %get3A_727 : vector<8x256xbf16> to vector<1x1x8x256xbf16>
      tpu.vector_store %arg10[%swap3A_728, %swap3A_729, %swap3A_730, %swap3A_731], %swap3A_734 {strides = array<i32>} : memref<3x1024x8x256xbf16, #tpu.memory_space<vmem>>, vector<1x1x8x256xbf16>,
      %get3A_735 = arith.constant 0 : index
      %get3A_736 = arith.constant 2 : index
      %get3A_737 = arith.index_cast %add3A_702 : i32 to index
      %get3A_738 = memref.load %arg7[%get3A_735, %get3A_736, %get3A_737] : memref<1x3x1024xi32, #tpu.memory_space<smem>>
      %get3A_739 = arith.index_cast %get3A_738 : i32 to index
      %get3A_740 = arith.constant 0 : index
      %get3A_741 = arith.constant 0 : index
      %get3A_742 = vector.load %arg2[%get3A_739, %get3A_740, %get3A_741] : memref<2049x8x256xbf16, #tpu.memory_space<vmem>>, vector<1x8x256xbf16>
      %get3A_743 = vector.shape_cast %get3A_742 : vector<1x8x256xbf16> to vector<8x256xbf16>
      %swap3A_744 = arith.constant 2 : index
      %swap3A_745 = arith.index_cast %add3A_702 : i32 to index
      %swap3A_746 = arith.constant 0 : index
      %swap3A_747 = arith.constant 0 : index
      %swap3A_748 = vector.load %arg10[%swap3A_744, %swap3A_745, %swap3A_746, %swap3A_747] : memref<3x1024x8x256xbf16, #tpu.memory_space<vmem>>, vector<1x1x8x256xbf16>
      %swap3A_749 = vector.shape_cast %swap3A_748 : vector<1x1x8x256xbf16> to vector<8x256xbf16>
      %swap3A_750 = vector.shape_cast %get3A_743 : vector<8x256xbf16> to vector<1x1x8x256xbf16>
      tpu.vector_store %arg10[%swap3A_744, %swap3A_745, %swap3A_746, %swap3A_747], %swap3A_750 {strides = array<i32>} : memref<3x1024x8x256xbf16, #tpu.memory_space<vmem>>, vector<1x1x8x256xbf16>,
      %mul3A_751 = arith.constant 16 : i32
      %mul3A_752 = arith.muli %scan3A_75, %mul3A_751 : i32
      %add3A_753 = arith.constant 13 : i32
      %add3A_754 = arith.addi %mul3A_752, %add3A_753 : i32
      %get3A_755 = arith.constant 0 : index
      %get3A_756 = arith.constant 0 : index
      %get3A_757 = arith.index_cast %add3A_754 : i32 to index
      %get3A_758 = memref.load %arg7[%get3A_755, %get3A_756, %get3A_757] : memref<1x3x1024xi32, #tpu.memory_space<smem>>
      %get3A_759 = arith.index_cast %get3A_758 : i32 to index
      %get3A_760 = arith.constant 0 : index
      %get3A_761 = arith.constant 0 : index
      %get3A_762 = vector.load %arg2[%get3A_759, %get3A_760, %get3A_761] : memref<2049x8x256xbf16, #tpu.memory_space<vmem>>, vector<1x8x256xbf16>
      %get3A_763 = vector.shape_cast %get3A_762 : vector<1x8x256xbf16> to vector<8x256xbf16>
      %swap3A_764 = arith.constant 0 : index
      %swap3A_765 = arith.index_cast %add3A_754 : i32 to index
      %swap3A_766 = arith.constant 0 : index
      %swap3A_767 = arith.constant 0 : index
      %swap3A_768 = vector.load %arg10[%swap3A_764, %swap3A_765, %swap3A_766, %swap3A_767] : memref<3x1024x8x256xbf16, #tpu.memory_space<vmem>>, vector<1x1x8x256xbf16>
      %swap3A_769 = vector.shape_cast %swap3A_768 : vector<1x1x8x256xbf16> to vector<8x256xbf16>
      %swap3A_770 = vector.shape_cast %get3A_763 : vector<8x256xbf16> to vector<1x1x8x256xbf16>
      tpu.vector_store %arg10[%swap3A_764, %swap3A_765, %swap3A_766, %swap3A_767], %swap3A_770 {strides = array<i32>} : memref<3x1024x8x256xbf16, #tpu.memory_space<vmem>>, vector<1x1x8x256xbf16>,
      %get3A_771 = arith.constant 0 : index
      %get3A_772 = arith.constant 1 : index
      %get3A_773 = arith.index_cast %add3A_754 : i32 to index
      %get3A_774 = memref.load %arg7[%get3A_771, %get3A_772, %get3A_773] : memref<1x3x1024xi32, #tpu.memory_space<smem>>
      %get3A_775 = arith.index_cast %get3A_774 : i32 to index
      %get3A_776 = arith.constant 0 : index
      %get3A_777 = arith.constant 0 : index
      %get3A_778 = vector.load %arg2[%get3A_775, %get3A_776, %get3A_777] : memref<2049x8x256xbf16, #tpu.memory_space<vmem>>, vector<1x8x256xbf16>
      %get3A_779 = vector.shape_cast %get3A_778 : vector<1x8x256xbf16> to vector<8x256xbf16>
      %swap3A_780 = arith.constant 1 : index
      %swap3A_781 = arith.index_cast %add3A_754 : i32 to index
      %swap3A_782 = arith.constant 0 : index
      %swap3A_783 = arith.constant 0 : index
      %swap3A_784 = vector.load %arg10[%swap3A_780, %swap3A_781, %swap3A_782, %swap3A_783] : memref<3x1024x8x256xbf16, #tpu.memory_space<vmem>>, vector<1x1x8x256xbf16>
      %swap3A_785 = vector.shape_cast %swap3A_784 : vector<1x1x8x256xbf16> to vector<8x256xbf16>
      %swap3A_786 = vector.shape_cast %get3A_779 : vector<8x256xbf16> to vector<1x1x8x256xbf16>
      tpu.vector_store %arg10[%swap3A_780, %swap3A_781, %swap3A_782, %swap3A_783], %swap3A_786 {strides = array<i32>} : memref<3x1024x8x256xbf16, #tpu.memory_space<vmem>>, vector<1x1x8x256xbf16>,
      %get3A_787 = arith.constant 0 : index
      %get3A_788 = arith.constant 2 : index
      %get3A_789 = arith.index_cast %add3A_754 : i32 to index
      %get3A_790 = memref.load %arg7[%get3A_787, %get3A_788, %get3A_789] : memref<1x3x1024xi32, #tpu.memory_space<smem>>
      %get3A_791 = arith.index_cast %get3A_790 : i32 to index
      %get3A_792 = arith.constant 0 : index
      %get3A_793 = arith.constant 0 : index
      %get3A_794 = vector.load %arg2[%get3A_791, %get3A_792, %get3A_793] : memref<2049x8x256xbf16, #tpu.memory_space<vmem>>, vector<1x8x256xbf16>
      %get3A_795 = vector.shape_cast %get3A_794 : vector<1x8x256xbf16> to vector<8x256xbf16>
      %swap3A_796 = arith.constant 2 : index
      %swap3A_797 = arith.index_cast %add3A_754 : i32 to index
      %swap3A_798 = arith.constant 0 : index
      %swap3A_799 = arith.constant 0 : index
      %swap3A_800 = vector.load %arg10[%swap3A_796, %swap3A_797, %swap3A_798, %swap3A_799] : memref<3x1024x8x256xbf16, #tpu.memory_space<vmem>>, vector<1x1x8x256xbf16>
      %swap3A_801 = vector.shape_cast %swap3A_800 : vector<1x1x8x256xbf16> to vector<8x256xbf16>
      %swap3A_802 = vector.shape_cast %get3A_795 : vector<8x256xbf16> to vector<1x1x8x256xbf16>
      tpu.vector_store %arg10[%swap3A_796, %swap3A_797, %swap3A_798, %swap3A_799], %swap3A_802 {strides = array<i32>} : memref<3x1024x8x256xbf16, #tpu.memory_space<vmem>>, vector<1x1x8x256xbf16>,
      %mul3A_803 = arith.constant 16 : i32
      %mul3A_804 = arith.muli %scan3A_75, %mul3A_803 : i32
      %add3A_805 = arith.constant 14 : i32
      %add3A_806 = arith.addi %mul3A_804, %add3A_805 : i32
      %get3A_807 = arith.constant 0 : index
      %get3A_808 = arith.constant 0 : index
      %get3A_809 = arith.index_cast %add3A_806 : i32 to index
      %get3A_810 = memref.load %arg7[%get3A_807, %get3A_808, %get3A_809] : memref<1x3x1024xi32, #tpu.memory_space<smem>>
      %get3A_811 = arith.index_cast %get3A_810 : i32 to index
      %get3A_812 = arith.constant 0 : index
      %get3A_813 = arith.constant 0 : index
      %get3A_814 = vector.load %arg2[%get3A_811, %get3A_812, %get3A_813] : memref<2049x8x256xbf16, #tpu.memory_space<vmem>>, vector<1x8x256xbf16>
      %get3A_815 = vector.shape_cast %get3A_814 : vector<1x8x256xbf16> to vector<8x256xbf16>
      %swap3A_816 = arith.constant 0 : index
      %swap3A_817 = arith.index_cast %add3A_806 : i32 to index
      %swap3A_818 = arith.constant 0 : index
      %swap3A_819 = arith.constant 0 : index
      %swap3A_820 = vector.load %arg10[%swap3A_816, %swap3A_817, %swap3A_818, %swap3A_819] : memref<3x1024x8x256xbf16, #tpu.memory_space<vmem>>, vector<1x1x8x256xbf16>
      %swap3A_821 = vector.shape_cast %swap3A_820 : vector<1x1x8x256xbf16> to vector<8x256xbf16>
      %swap3A_822 = vector.shape_cast %get3A_815 : vector<8x256xbf16> to vector<1x1x8x256xbf16>
      tpu.vector_store %arg10[%swap3A_816, %swap3A_817, %swap3A_818, %swap3A_819], %swap3A_822 {strides = array<i32>} : memref<3x1024x8x256xbf16, #tpu.memory_space<vmem>>, vector<1x1x8x256xbf16>,
      %get3A_823 = arith.constant 0 : index
      %get3A_824 = arith.constant 1 : index
      %get3A_825 = arith.index_cast %add3A_806 : i32 to index
      %get3A_826 = memref.load %arg7[%get3A_823, %get3A_824, %get3A_825] : memref<1x3x1024xi32, #tpu.memory_space<smem>>
      %get3A_827 = arith.index_cast %get3A_826 : i32 to index
      %get3A_828 = arith.constant 0 : index
      %get3A_829 = arith.constant 0 : index
      %get3A_830 = vector.load %arg2[%get3A_827, %get3A_828, %get3A_829] : memref<2049x8x256xbf16, #tpu.memory_space<vmem>>, vector<1x8x256xbf16>
      %get3A_831 = vector.shape_cast %get3A_830 : vector<1x8x256xbf16> to vector<8x256xbf16>
      %swap3A_832 = arith.constant 1 : index
      %swap3A_833 = arith.index_cast %add3A_806 : i32 to index
      %swap3A_834 = arith.constant 0 : index
      %swap3A_835 = arith.constant 0 : index
      %swap3A_836 = vector.load %arg10[%swap3A_832, %swap3A_833, %swap3A_834, %swap3A_835] : memref<3x1024x8x256xbf16, #tpu.memory_space<vmem>>, vector<1x1x8x256xbf16>
      %swap3A_837 = vector.shape_cast %swap3A_836 : vector<1x1x8x256xbf16> to vector<8x256xbf16>
      %swap3A_838 = vector.shape_cast %get3A_831 : vector<8x256xbf16> to vector<1x1x8x256xbf16>
      tpu.vector_store %arg10[%swap3A_832, %swap3A_833, %swap3A_834, %swap3A_835], %swap3A_838 {strides = array<i32>} : memref<3x1024x8x256xbf16, #tpu.memory_space<vmem>>, vector<1x1x8x256xbf16>,
      %get3A_839 = arith.constant 0 : index
      %get3A_840 = arith.constant 2 : index
      %get3A_841 = arith.index_cast %add3A_806 : i32 to index
      %get3A_842 = memref.load %arg7[%get3A_839, %get3A_840, %get3A_841] : memref<1x3x1024xi32, #tpu.memory_space<smem>>
      %get3A_843 = arith.index_cast %get3A_842 : i32 to index
      %get3A_844 = arith.constant 0 : index
      %get3A_845 = arith.constant 0 : index
      %get3A_846 = vector.load %arg2[%get3A_843, %get3A_844, %get3A_845] : memref<2049x8x256xbf16, #tpu.memory_space<vmem>>, vector<1x8x256xbf16>
      %get3A_847 = vector.shape_cast %get3A_846 : vector<1x8x256xbf16> to vector<8x256xbf16>
      %swap3A_848 = arith.constant 2 : index
      %swap3A_849 = arith.index_cast %add3A_806 : i32 to index
      %swap3A_850 = arith.constant 0 : index
      %swap3A_851 = arith.constant 0 : index
      %swap3A_852 = vector.load %arg10[%swap3A_848, %swap3A_849, %swap3A_850, %swap3A_851] : memref<3x1024x8x256xbf16, #tpu.memory_space<vmem>>, vector<1x1x8x256xbf16>
      %swap3A_853 = vector.shape_cast %swap3A_852 : vector<1x1x8x256xbf16> to vector<8x256xbf16>
      %swap3A_854 = vector.shape_cast %get3A_847 : vector<8x256xbf16> to vector<1x1x8x256xbf16>
      tpu.vector_store %arg10[%swap3A_848, %swap3A_849, %swap3A_850, %swap3A_851], %swap3A_854 {strides = array<i32>} : memref<3x1024x8x256xbf16, #tpu.memory_space<vmem>>, vector<1x1x8x256xbf16>,
      %mul3A_855 = arith.constant 16 : i32
      %mul3A_856 = arith.muli %scan3A_75, %mul3A_855 : i32
      %add3A_857 = arith.constant 15 : i32
      %add3A_858 = arith.addi %mul3A_856, %add3A_857 : i32
      %get3A_859 = arith.constant 0 : index
      %get3A_860 = arith.constant 0 : index
      %get3A_861 = arith.index_cast %add3A_858 : i32 to index
      %get3A_862 = memref.load %arg7[%get3A_859, %get3A_860, %get3A_861] : memref<1x3x1024xi32, #tpu.memory_space<smem>>
      %get3A_863 = arith.index_cast %get3A_862 : i32 to index
      %get3A_864 = arith.constant 0 : index
      %get3A_865 = arith.constant 0 : index
      %get3A_866 = vector.load %arg2[%get3A_863, %get3A_864, %get3A_865] : memref<2049x8x256xbf16, #tpu.memory_space<vmem>>, vector<1x8x256xbf16>
      %get3A_867 = vector.shape_cast %get3A_866 : vector<1x8x256xbf16> to vector<8x256xbf16>
      %swap3A_868 = arith.constant 0 : index
      %swap3A_869 = arith.index_cast %add3A_858 : i32 to index
      %swap3A_870 = arith.constant 0 : index
      %swap3A_871 = arith.constant 0 : index
      %swap3A_872 = vector.load %arg10[%swap3A_868, %swap3A_869, %swap3A_870, %swap3A_871] : memref<3x1024x8x256xbf16, #tpu.memory_space<vmem>>, vector<1x1x8x256xbf16>
      %swap3A_873 = vector.shape_cast %swap3A_872 : vector<1x1x8x256xbf16> to vector<8x256xbf16>
      %swap3A_874 = vector.shape_cast %get3A_867 : vector<8x256xbf16> to vector<1x1x8x256xbf16>
      tpu.vector_store %arg10[%swap3A_868, %swap3A_869, %swap3A_870, %swap3A_871], %swap3A_874 {strides = array<i32>} : memref<3x1024x8x256xbf16, #tpu.memory_space<vmem>>, vector<1x1x8x256xbf16>,
      %get3A_875 = arith.constant 0 : index
      %get3A_876 = arith.constant 1 : index
      %get3A_877 = arith.index_cast %add3A_858 : i32 to index
      %get3A_878 = memref.load %arg7[%get3A_875, %get3A_876, %get3A_877] : memref<1x3x1024xi32, #tpu.memory_space<smem>>
      %get3A_879 = arith.index_cast %get3A_878 : i32 to index
      %get3A_880 = arith.constant 0 : index
      %get3A_881 = arith.constant 0 : index
      %get3A_882 = vector.load %arg2[%get3A_879, %get3A_880, %get3A_881] : memref<2049x8x256xbf16, #tpu.memory_space<vmem>>, vector<1x8x256xbf16>
      %get3A_883 = vector.shape_cast %get3A_882 : vector<1x8x256xbf16> to vector<8x256xbf16>
      %swap3A_884 = arith.constant 1 : index
      %swap3A_885 = arith.index_cast %add3A_858 : i32 to index
      %swap3A_886 = arith.constant 0 : index
      %swap3A_887 = arith.constant 0 : index
      %swap3A_888 = vector.load %arg10[%swap3A_884, %swap3A_885, %swap3A_886, %swap3A_887] : memref<3x1024x8x256xbf16, #tpu.memory_space<vmem>>, vector<1x1x8x256xbf16>
      %swap3A_889 = vector.shape_cast %swap3A_888 : vector<1x1x8x256xbf16> to vector<8x256xbf16>
      %swap3A_890 = vector.shape_cast %get3A_883 : vector<8x256xbf16> to vector<1x1x8x256xbf16>
      tpu.vector_store %arg10[%swap3A_884, %swap3A_885, %swap3A_886, %swap3A_887], %swap3A_890 {strides = array<i32>} : memref<3x1024x8x256xbf16, #tpu.memory_space<vmem>>, vector<1x1x8x256xbf16>,
      %get3A_891 = arith.constant 0 : index
      %get3A_892 = arith.constant 2 : index
      %get3A_893 = arith.index_cast %add3A_858 : i32 to index
      %get3A_894 = memref.load %arg7[%get3A_891, %get3A_892, %get3A_893] : memref<1x3x1024xi32, #tpu.memory_space<smem>>
      %get3A_895 = arith.index_cast %get3A_894 : i32 to index
      %get3A_896 = arith.constant 0 : index
      %get3A_897 = arith.constant 0 : index
      %get3A_898 = vector.load %arg2[%get3A_895, %get3A_896, %get3A_897] : memref<2049x8x256xbf16, #tpu.memory_space<vmem>>, vector<1x8x256xbf16>
      %get3A_899 = vector.shape_cast %get3A_898 : vector<1x8x256xbf16> to vector<8x256xbf16>
      %swap3A_900 = arith.constant 2 : index
      %swap3A_901 = arith.index_cast %add3A_858 : i32 to index
      %swap3A_902 = arith.constant 0 : index
      %swap3A_903 = arith.constant 0 : index
      %swap3A_904 = vector.load %arg10[%swap3A_900, %swap3A_901, %swap3A_902, %swap3A_903] : memref<3x1024x8x256xbf16, #tpu.memory_space<vmem>>, vector<1x1x8x256xbf16>
      %swap3A_905 = vector.shape_cast %swap3A_904 : vector<1x1x8x256xbf16> to vector<8x256xbf16>
      %swap3A_906 = vector.shape_cast %get3A_899 : vector<8x256xbf16> to vector<1x1x8x256xbf16>
      tpu.vector_store %arg10[%swap3A_900, %swap3A_901, %swap3A_902, %swap3A_903], %swap3A_906 {strides = array<i32>} : memref<3x1024x8x256xbf16, #tpu.memory_space<vmem>>, vector<1x1x8x256xbf16>,
    }
    %scan3A_7 = arith.constant 64 : i32
    %get3A = arith.constant 0 : index
    %get3A_8 = arith.constant 0 : index
    %get3A_9 = arith.constant 0 : index
    %get3A_10 = arith.constant 0 : index
    %get3A_11 = vector.load %arg10[%get3A, %get3A_8, %get3A_9, %get3A_10] : memref<3x1024x8x256xbf16, #tpu.memory_space<vmem>>, vector<1x1024x8x256xbf16>
    %get3A_12 = vector.shape_cast %get3A_11 : vector<1x1024x8x256xbf16> to vector<1024x8x256xbf16>
    %reshape3A = vector.shape_cast %get3A_12 : vector<1024x8x256xbf16> to vector<8192x256xbf16>
    %get3A_13 = arith.constant 1 : index
    %get3A_14 = arith.constant 0 : index
    %get3A_15 = arith.constant 0 : index
    %get3A_16 = arith.constant 0 : index
    %get3A_17 = vector.load %arg10[%get3A_13, %get3A_14, %get3A_15, %get3A_16] : memref<3x1024x8x256xbf16, #tpu.memory_space<vmem>>, vector<1x1024x8x256xbf16>
    %get3A_18 = vector.shape_cast %get3A_17 : vector<1x1024x8x256xbf16> to vector<1024x8x256xbf16>
    %reshape3A_19 = vector.shape_cast %get3A_18 : vector<1024x8x256xbf16> to vector<8192x256xbf16>
    %get3A_20 = arith.constant 2 : index
    %get3A_21 = arith.constant 0 : index
    %get3A_22 = arith.constant 0 : index
    %get3A_23 = arith.constant 0 : index
    %get3A_24 = vector.load %arg10[%get3A_20, %get3A_21, %get3A_22, %get3A_23] : memref<3x1024x8x256xbf16, #tpu.memory_space<vmem>>, vector<1x1024x8x256xbf16>
    %get3A_25 = vector.shape_cast %get3A_24 : vector<1x1024x8x256xbf16> to vector<1024x8x256xbf16>
    %reshape3A_26 = vector.shape_cast %get3A_25 : vector<1024x8x256xbf16> to vector<8192x256xbf16>
    %get3A_27 = arith.constant 0 : index
    %get3A_28 = arith.constant 0 : index
    %get3A_29 = arith.constant 0 : index
    %get3A_30 = vector.load %arg3[%get3A_27, %get3A_28, %get3A_29] : memref<3x256x512xbf16, #tpu.memory_space<vmem>>, vector<1x256x512xbf16>
    %get3A_31 = vector.shape_cast %get3A_30 : vector<1x256x512xbf16> to vector<256x512xbf16>
    %dot_general3A = arith.constant dense<0.000000e+00> : vector<8192x512xf32>
    %dot_general3A_32 = tpu.matmul %reshape3A, %get3A_31, %dot_general3A {dimension_numbers = #tpu.dot_dimension_numbers<[1], [0], [0], [1], [0, 0, 1, 1], [], []>, transpose_lhs_hint = false} : vector<8192x256xbf16>, vector<256x512xbf16>, vector<8192x512xf32> -> vector<8192x512xf32>
    %get3A_33 = arith.constant 1 : index
    %get3A_34 = arith.constant 0 : index
    %get3A_35 = arith.constant 0 : index
    %get3A_36 = vector.load %arg3[%get3A_33, %get3A_34, %get3A_35] : memref<3x256x512xbf16, #tpu.memory_space<vmem>>, vector<1x256x512xbf16>
    %get3A_37 = vector.shape_cast %get3A_36 : vector<1x256x512xbf16> to vector<256x512xbf16>
    %dot_general3A_38 = arith.constant dense<0.000000e+00> : vector<8192x512xf32>
    %dot_general3A_39 = tpu.matmul %reshape3A_19, %get3A_37, %dot_general3A_38 {dimension_numbers = #tpu.dot_dimension_numbers<[1], [0], [0], [1], [0, 0, 1, 1], [], []>, transpose_lhs_hint = false} : vector<8192x256xbf16>, vector<256x512xbf16>, vector<8192x512xf32> -> vector<8192x512xf32>
    %add3A = arith.addf %dot_general3A_32, %dot_general3A_39 : vector<8192x512xf32>
    %get3A_40 = arith.constant 2 : index
    %get3A_41 = arith.constant 0 : index
    %get3A_42 = arith.constant 0 : index
    %get3A_43 = vector.load %arg3[%get3A_40, %get3A_41, %get3A_42] : memref<3x256x512xbf16, #tpu.memory_space<vmem>>, vector<1x256x512xbf16>
    %get3A_44 = vector.shape_cast %get3A_43 : vector<1x256x512xbf16> to vector<256x512xbf16>
    %dot_general3A_45 = arith.constant dense<0.000000e+00> : vector<8192x512xf32>
    %dot_general3A_46 = tpu.matmul %reshape3A_26, %get3A_44, %dot_general3A_45 {dimension_numbers = #tpu.dot_dimension_numbers<[1], [0], [0], [1], [0, 0, 1, 1], [], []>, transpose_lhs_hint = false} : vector<8192x256xbf16>, vector<256x512xbf16>, vector<8192x512xf32> -> vector<8192x512xf32>
    %add3A_47 = arith.addf %add3A, %dot_general3A_46 : vector<8192x512xf32>
    %get3A_48 = arith.constant 0 : index
    %get3A_49 = arith.constant 0 : index
    %get3A_50 = vector.load %arg4[%get3A_48, %get3A_49] : memref<8x512xf32, #tpu.memory_space<vmem>>, vector<1x512xf32>
    %add3A_51 = vector.broadcast %get3A_50 : vector<1x512xf32> to vector<8192x512xf32>
    %add3A_52 = arith.addf %add3A_47, %add3A_51 : vector<8192x512xf32>
    %max3A = arith.constant 0.000000e+00 : f32
    %max3A_53 = vector.broadcast %max3A : f32 to vector<8192x512xf32>
    %max3A_54 = arith.maximumf %add3A_52, %max3A_53 : vector<8192x512xf32>
    %convert_element_type3A_55 = arith.truncf %max3A_54 : vector<8192x512xf32> to vector<8192x512xbf16>
    %get3A_56 = arith.constant 0 : index
    %get3A_57 = arith.constant 0 : index
    %get3A_58 = vector.load %arg5[%get3A_56, %get3A_57] : memref<512x256xbf16, #tpu.memory_space<vmem>>, vector<512x256xbf16>
    %dot_general3A_59 = arith.constant dense<0.000000e+00> : vector<8192x256xf32>
    %dot_general3A_60 = tpu.matmul %convert_element_type3A_55, %get3A_58, %dot_general3A_59 {dimension_numbers = #tpu.dot_dimension_numbers<[1], [0], [0], [1], [0, 0, 1, 1], [], []>, transpose_lhs_hint = false} : vector<8192x512xbf16>, vector<512x256xbf16>, vector<8192x256xf32> -> vector<8192x256xf32>
    %get3A_61 = arith.constant 0 : index
    %get3A_62 = arith.constant 0 : index
    %get3A_63 = vector.load %arg6[%get3A_61, %get3A_62] : memref<8x256xf32, #tpu.memory_space<vmem>>, vector<1x256xf32>
    %add3A_64 = vector.broadcast %get3A_63 : vector<1x256xf32> to vector<8192x256xf32>
    %add3A_65 = arith.addf %dot_general3A_60, %add3A_64 : vector<8192x256xf32>
    %reshape3A_66 = vector.shape_cast %add3A_65 : vector<8192x256xf32> to vector<1024x8x256xf32>
    %swap3A = arith.constant 0 : index
    %swap3A_67 = arith.constant 0 : index
    %swap3A_68 = arith.constant 0 : index
    %swap3A_69 = vector.load %arg11[%swap3A, %swap3A_67, %swap3A_68] : memref<1024x8x256xf32, #tpu.memory_space<vmem>>, vector<1024x8x256xf32>
    tpu.vector_store %arg11[%swap3A, %swap3A_67, %swap3A_68], %reshape3A_66 {strides = array<i32>} : memref<1024x8x256xf32, #tpu.memory_space<vmem>>, vector<1024x8x256xf32>,
    %scan3A_70 = arith.constant 0 : i32
    %scan3A_71 = arith.constant 64 : i32
    %scan3A_72 = arith.addi %scan3A_70, %scan3A_71 : i32
    %scan3A_73 = arith.constant 1 : i32
    scf.for %scan3A_75 = %scan3A_70 to %scan3A_72 step %scan3A_73  : i32 {
      %mul3A = arith.constant 16 : i32
      %mul3A_76 = arith.muli %scan3A_75, %mul3A : i32
      %add3A_77 = arith.constant 0 : i32
      %add3A_78 = arith.addi %mul3A_76, %add3A_77 : i32
      %get3A_79 = arith.index_cast %add3A_78 : i32 to index
      %get3A_80 = arith.constant 0 : index
      %get3A_81 = arith.constant 0 : index
      %get3A_82 = vector.load %arg11[%get3A_79, %get3A_80, %get3A_81] : memref<1024x8x256xf32, #tpu.memory_space<vmem>>, vector<1x8x256xf32>
      %get3A_83 = vector.shape_cast %get3A_82 : vector<1x8x256xf32> to vector<8x256xf32>
      %get3A_84 = arith.constant 0 : index
      %get3A_85 = arith.constant 0 : index
      %get3A_86 = arith.index_cast %add3A_78 : i32 to index
      %get3A_87 = memref.load %arg8[%get3A_84, %get3A_85, %get3A_86] : memref<1x3x1024xi32, #tpu.memory_space<smem>>
      %get3A_88 = arith.index_cast %get3A_87 : i32 to index
      %get3A_89 = arith.constant 0 : index
      %get3A_90 = arith.constant 0 : index
      %get3A_91 = vector.load %arg9[%get3A_88, %get3A_89, %get3A_90] : memref<2048x8x256xf32, #tpu.memory_space<vmem>>, vector<1x8x256xf32>
      %get3A_92 = vector.shape_cast %get3A_91 : vector<1x8x256xf32> to vector<8x256xf32>
      %max3A_93 = arith.maximumf %get3A_92, %get3A_83 : vector<8x256xf32>
      %swap3A_94 = arith.index_cast %get3A_87 : i32 to index
      %swap3A_95 = arith.constant 0 : index
      %swap3A_96 = arith.constant 0 : index
      %swap3A_97 = vector.load %arg9[%swap3A_94, %swap3A_95, %swap3A_96] : memref<2048x8x256xf32, #tpu.memory_space<vmem>>, vector<1x8x256xf32>
      %swap3A_98 = vector.shape_cast %swap3A_97 : vector<1x8x256xf32> to vector<8x256xf32>
      %swap3A_99 = vector.shape_cast %max3A_93 : vector<8x256xf32> to vector<1x8x256xf32>
      tpu.vector_store %arg9[%swap3A_94, %swap3A_95, %swap3A_96], %swap3A_99 {strides = array<i32>} : memref<2048x8x256xf32, #tpu.memory_space<vmem>>, vector<1x8x256xf32>,
      %get3A_100 = arith.constant 0 : index
      %get3A_101 = arith.constant 1 : index
      %get3A_102 = arith.index_cast %add3A_78 : i32 to index
      %get3A_103 = memref.load %arg8[%get3A_100, %get3A_101, %get3A_102] : memref<1x3x1024xi32, #tpu.memory_space<smem>>
      %get3A_104 = arith.index_cast %get3A_103 : i32 to index
      %get3A_105 = arith.constant 0 : index
      %get3A_106 = arith.constant 0 : index
      %get3A_107 = vector.load %arg9[%get3A_104, %get3A_105, %get3A_106] : memref<2048x8x256xf32, #tpu.memory_space<vmem>>, vector<1x8x256xf32>
      %get3A_108 = vector.shape_cast %get3A_107 : vector<1x8x256xf32> to vector<8x256xf32>
      %max3A_109 = arith.maximumf %get3A_108, %get3A_83 : vector<8x256xf32>
      %swap3A_110 = arith.index_cast %get3A_103 : i32 to index
      %swap3A_111 = arith.constant 0 : index
      %swap3A_112 = arith.constant 0 : index
      %swap3A_113 = vector.load %arg9[%swap3A_110, %swap3A_111, %swap3A_112] : memref<2048x8x256xf32, #tpu.memory_space<vmem>>, vector<1x8x256xf32>
      %swap3A_114 = vector.shape_cast %swap3A_113 : vector<1x8x256xf32> to vector<8x256xf32>
      %swap3A_115 = vector.shape_cast %max3A_109 : vector<8x256xf32> to vector<1x8x256xf32>
      tpu.vector_store %arg9[%swap3A_110, %swap3A_111, %swap3A_112], %swap3A_115 {strides = array<i32>} : memref<2048x8x256xf32, #tpu.memory_space<vmem>>, vector<1x8x256xf32>,
      %get3A_116 = arith.constant 0 : index
      %get3A_117 = arith.constant 2 : index
      %get3A_118 = arith.index_cast %add3A_78 : i32 to index
      %get3A_119 = memref.load %arg8[%get3A_116, %get3A_117, %get3A_118] : memref<1x3x1024xi32, #tpu.memory_space<smem>>
      %get3A_120 = arith.index_cast %get3A_119 : i32 to index
      %get3A_121 = arith.constant 0 : index
      %get3A_122 = arith.constant 0 : index
      %get3A_123 = vector.load %arg9[%get3A_120, %get3A_121, %get3A_122] : memref<2048x8x256xf32, #tpu.memory_space<vmem>>, vector<1x8x256xf32>
      %get3A_124 = vector.shape_cast %get3A_123 : vector<1x8x256xf32> to vector<8x256xf32>
      %max3A_125 = arith.maximumf %get3A_124, %get3A_83 : vector<8x256xf32>
      %swap3A_126 = arith.index_cast %get3A_119 : i32 to index
      %swap3A_127 = arith.constant 0 : index
      %swap3A_128 = arith.constant 0 : index
      %swap3A_129 = vector.load %arg9[%swap3A_126, %swap3A_127, %swap3A_128] : memref<2048x8x256xf32, #tpu.memory_space<vmem>>, vector<1x8x256xf32>
      %swap3A_130 = vector.shape_cast %swap3A_129 : vector<1x8x256xf32> to vector<8x256xf32>
      %swap3A_131 = vector.shape_cast %max3A_125 : vector<8x256xf32> to vector<1x8x256xf32>
      tpu.vector_store %arg9[%swap3A_126, %swap3A_127, %swap3A_128], %swap3A_131 {strides = array<i32>} : memref<2048x8x256xf32, #tpu.memory_space<vmem>>, vector<1x8x256xf32>,
      %mul3A_132 = arith.constant 16 : i32
      %mul3A_133 = arith.muli %scan3A_75, %mul3A_132 : i32
      %add3A_134 = arith.constant 1 : i32
      %add3A_135 = arith.addi %mul3A_133, %add3A_134 : i32
      %get3A_136 = arith.index_cast %add3A_135 : i32 to index
      %get3A_137 = arith.constant 0 : index
      %get3A_138 = arith.constant 0 : index
      %get3A_139 = vector.load %arg11[%get3A_136, %get3A_137, %get3A_138] : memref<1024x8x256xf32, #tpu.memory_space<vmem>>, vector<1x8x256xf32>
      %get3A_140 = vector.shape_cast %get3A_139 : vector<1x8x256xf32> to vector<8x256xf32>
      %get3A_141 = arith.constant 0 : index
      %get3A_142 = arith.constant 0 : index
      %get3A_143 = arith.index_cast %add3A_135 : i32 to index
      %get3A_144 = memref.load %arg8[%get3A_141, %get3A_142, %get3A_143] : memref<1x3x1024xi32, #tpu.memory_space<smem>>
      %get3A_145 = arith.index_cast %get3A_144 : i32 to index
      %get3A_146 = arith.constant 0 : index
      %get3A_147 = arith.constant 0 : index
      %get3A_148 = vector.load %arg9[%get3A_145, %get3A_146, %get3A_147] : memref<2048x8x256xf32, #tpu.memory_space<vmem>>, vector<1x8x256xf32>
      %get3A_149 = vector.shape_cast %get3A_148 : vector<1x8x256xf32> to vector<8x256xf32>
      %max3A_150 = arith.maximumf %get3A_149, %get3A_140 : vector<8x256xf32>
      %swap3A_151 = arith.index_cast %get3A_144 : i32 to index
      %swap3A_152 = arith.constant 0 : index
      %swap3A_153 = arith.constant 0 : index
      %swap3A_154 = vector.load %arg9[%swap3A_151, %swap3A_152, %swap3A_153] : memref<2048x8x256xf32, #tpu.memory_space<vmem>>, vector<1x8x256xf32>
      %swap3A_155 = vector.shape_cast %swap3A_154 : vector<1x8x256xf32> to vector<8x256xf32>
      %swap3A_156 = vector.shape_cast %max3A_150 : vector<8x256xf32> to vector<1x8x256xf32>
      tpu.vector_store %arg9[%swap3A_151, %swap3A_152, %swap3A_153], %swap3A_156 {strides = array<i32>} : memref<2048x8x256xf32, #tpu.memory_space<vmem>>, vector<1x8x256xf32>,
      %get3A_157 = arith.constant 0 : index
      %get3A_158 = arith.constant 1 : index
      %get3A_159 = arith.index_cast %add3A_135 : i32 to index
      %get3A_160 = memref.load %arg8[%get3A_157, %get3A_158, %get3A_159] : memref<1x3x1024xi32, #tpu.memory_space<smem>>
      %get3A_161 = arith.index_cast %get3A_160 : i32 to index
      %get3A_162 = arith.constant 0 : index
      %get3A_163 = arith.constant 0 : index
      %get3A_164 = vector.load %arg9[%get3A_161, %get3A_162, %get3A_163] : memref<2048x8x256xf32, #tpu.memory_space<vmem>>, vector<1x8x256xf32>
      %get3A_165 = vector.shape_cast %get3A_164 : vector<1x8x256xf32> to vector<8x256xf32>
      %max3A_166 = arith.maximumf %get3A_165, %get3A_140 : vector<8x256xf32>
      %swap3A_167 = arith.index_cast %get3A_160 : i32 to index
      %swap3A_168 = arith.constant 0 : index
      %swap3A_169 = arith.constant 0 : index
      %swap3A_170 = vector.load %arg9[%swap3A_167, %swap3A_168, %swap3A_169] : memref<2048x8x256xf32, #tpu.memory_space<vmem>>, vector<1x8x256xf32>
      %swap3A_171 = vector.shape_cast %swap3A_170 : vector<1x8x256xf32> to vector<8x256xf32>
      %swap3A_172 = vector.shape_cast %max3A_166 : vector<8x256xf32> to vector<1x8x256xf32>
      tpu.vector_store %arg9[%swap3A_167, %swap3A_168, %swap3A_169], %swap3A_172 {strides = array<i32>} : memref<2048x8x256xf32, #tpu.memory_space<vmem>>, vector<1x8x256xf32>,
      %get3A_173 = arith.constant 0 : index
      %get3A_174 = arith.constant 2 : index
      %get3A_175 = arith.index_cast %add3A_135 : i32 to index
      %get3A_176 = memref.load %arg8[%get3A_173, %get3A_174, %get3A_175] : memref<1x3x1024xi32, #tpu.memory_space<smem>>
      %get3A_177 = arith.index_cast %get3A_176 : i32 to index
      %get3A_178 = arith.constant 0 : index
      %get3A_179 = arith.constant 0 : index
      %get3A_180 = vector.load %arg9[%get3A_177, %get3A_178, %get3A_179] : memref<2048x8x256xf32, #tpu.memory_space<vmem>>, vector<1x8x256xf32>
      %get3A_181 = vector.shape_cast %get3A_180 : vector<1x8x256xf32> to vector<8x256xf32>
      %max3A_182 = arith.maximumf %get3A_181, %get3A_140 : vector<8x256xf32>
      %swap3A_183 = arith.index_cast %get3A_176 : i32 to index
      %swap3A_184 = arith.constant 0 : index
      %swap3A_185 = arith.constant 0 : index
      %swap3A_186 = vector.load %arg9[%swap3A_183, %swap3A_184, %swap3A_185] : memref<2048x8x256xf32, #tpu.memory_space<vmem>>, vector<1x8x256xf32>
      %swap3A_187 = vector.shape_cast %swap3A_186 : vector<1x8x256xf32> to vector<8x256xf32>
      %swap3A_188 = vector.shape_cast %max3A_182 : vector<8x256xf32> to vector<1x8x256xf32>
      tpu.vector_store %arg9[%swap3A_183, %swap3A_184, %swap3A_185], %swap3A_188 {strides = array<i32>} : memref<2048x8x256xf32, #tpu.memory_space<vmem>>, vector<1x8x256xf32>,
      %mul3A_189 = arith.constant 16 : i32
      %mul3A_190 = arith.muli %scan3A_75, %mul3A_189 : i32
      %add3A_191 = arith.constant 2 : i32
      %add3A_192 = arith.addi %mul3A_190, %add3A_191 : i32
      %get3A_193 = arith.index_cast %add3A_192 : i32 to index
      %get3A_194 = arith.constant 0 : index
      %get3A_195 = arith.constant 0 : index
      %get3A_196 = vector.load %arg11[%get3A_193, %get3A_194, %get3A_195] : memref<1024x8x256xf32, #tpu.memory_space<vmem>>, vector<1x8x256xf32>
      %get3A_197 = vector.shape_cast %get3A_196 : vector<1x8x256xf32> to vector<8x256xf32>
      %get3A_198 = arith.constant 0 : index
      %get3A_199 = arith.constant 0 : index
      %get3A_200 = arith.index_cast %add3A_192 : i32 to index
      %get3A_201 = memref.load %arg8[%get3A_198, %get3A_199, %get3A_200] : memref<1x3x1024xi32, #tpu.memory_space<smem>>
      %get3A_202 = arith.index_cast %get3A_201 : i32 to index
      %get3A_203 = arith.constant 0 : index
      %get3A_204 = arith.constant 0 : index
      %get3A_205 = vector.load %arg9[%get3A_202, %get3A_203, %get3A_204] : memref<2048x8x256xf32, #tpu.memory_space<vmem>>, vector<1x8x256xf32>
      %get3A_206 = vector.shape_cast %get3A_205 : vector<1x8x256xf32> to vector<8x256xf32>
      %max3A_207 = arith.maximumf %get3A_206, %get3A_197 : vector<8x256xf32>
      %swap3A_208 = arith.index_cast %get3A_201 : i32 to index
      %swap3A_209 = arith.constant 0 : index
      %swap3A_210 = arith.constant 0 : index
      %swap3A_211 = vector.load %arg9[%swap3A_208, %swap3A_209, %swap3A_210] : memref<2048x8x256xf32, #tpu.memory_space<vmem>>, vector<1x8x256xf32>
      %swap3A_212 = vector.shape_cast %swap3A_211 : vector<1x8x256xf32> to vector<8x256xf32>
      %swap3A_213 = vector.shape_cast %max3A_207 : vector<8x256xf32> to vector<1x8x256xf32>
      tpu.vector_store %arg9[%swap3A_208, %swap3A_209, %swap3A_210], %swap3A_213 {strides = array<i32>} : memref<2048x8x256xf32, #tpu.memory_space<vmem>>, vector<1x8x256xf32>,
      %get3A_214 = arith.constant 0 : index
      %get3A_215 = arith.constant 1 : index
      %get3A_216 = arith.index_cast %add3A_192 : i32 to index
      %get3A_217 = memref.load %arg8[%get3A_214, %get3A_215, %get3A_216] : memref<1x3x1024xi32, #tpu.memory_space<smem>>
      %get3A_218 = arith.index_cast %get3A_217 : i32 to index
      %get3A_219 = arith.constant 0 : index
      %get3A_220 = arith.constant 0 : index
      %get3A_221 = vector.load %arg9[%get3A_218, %get3A_219, %get3A_220] : memref<2048x8x256xf32, #tpu.memory_space<vmem>>, vector<1x8x256xf32>
      %get3A_222 = vector.shape_cast %get3A_221 : vector<1x8x256xf32> to vector<8x256xf32>
      %max3A_223 = arith.maximumf %get3A_222, %get3A_197 : vector<8x256xf32>
      %swap3A_224 = arith.index_cast %get3A_217 : i32 to index
      %swap3A_225 = arith.constant 0 : index
      %swap3A_226 = arith.constant 0 : index
      %swap3A_227 = vector.load %arg9[%swap3A_224, %swap3A_225, %swap3A_226] : memref<2048x8x256xf32, #tpu.memory_space<vmem>>, vector<1x8x256xf32>
      %swap3A_228 = vector.shape_cast %swap3A_227 : vector<1x8x256xf32> to vector<8x256xf32>
      %swap3A_229 = vector.shape_cast %max3A_223 : vector<8x256xf32> to vector<1x8x256xf32>
      tpu.vector_store %arg9[%swap3A_224, %swap3A_225, %swap3A_226], %swap3A_229 {strides = array<i32>} : memref<2048x8x256xf32, #tpu.memory_space<vmem>>, vector<1x8x256xf32>,
      %get3A_230 = arith.constant 0 : index
      %get3A_231 = arith.constant 2 : index
      %get3A_232 = arith.index_cast %add3A_192 : i32 to index
      %get3A_233 = memref.load %arg8[%get3A_230, %get3A_231, %get3A_232] : memref<1x3x1024xi32, #tpu.memory_space<smem>>
      %get3A_234 = arith.index_cast %get3A_233 : i32 to index
      %get3A_235 = arith.constant 0 : index
      %get3A_236 = arith.constant 0 : index
      %get3A_237 = vector.load %arg9[%get3A_234, %get3A_235, %get3A_236] : memref<2048x8x256xf32, #tpu.memory_space<vmem>>, vector<1x8x256xf32>
      %get3A_238 = vector.shape_cast %get3A_237 : vector<1x8x256xf32> to vector<8x256xf32>
      %max3A_239 = arith.maximumf %get3A_238, %get3A_197 : vector<8x256xf32>
      %swap3A_240 = arith.index_cast %get3A_233 : i32 to index
      %swap3A_241 = arith.constant 0 : index
      %swap3A_242 = arith.constant 0 : index
      %swap3A_243 = vector.load %arg9[%swap3A_240, %swap3A_241, %swap3A_242] : memref<2048x8x256xf32, #tpu.memory_space<vmem>>, vector<1x8x256xf32>
      %swap3A_244 = vector.shape_cast %swap3A_243 : vector<1x8x256xf32> to vector<8x256xf32>
      %swap3A_245 = vector.shape_cast %max3A_239 : vector<8x256xf32> to vector<1x8x256xf32>
      tpu.vector_store %arg9[%swap3A_240, %swap3A_241, %swap3A_242], %swap3A_245 {strides = array<i32>} : memref<2048x8x256xf32, #tpu.memory_space<vmem>>, vector<1x8x256xf32>,
      %mul3A_246 = arith.constant 16 : i32
      %mul3A_247 = arith.muli %scan3A_75, %mul3A_246 : i32
      %add3A_248 = arith.constant 3 : i32
      %add3A_249 = arith.addi %mul3A_247, %add3A_248 : i32
      %get3A_250 = arith.index_cast %add3A_249 : i32 to index
      %get3A_251 = arith.constant 0 : index
      %get3A_252 = arith.constant 0 : index
      %get3A_253 = vector.load %arg11[%get3A_250, %get3A_251, %get3A_252] : memref<1024x8x256xf32, #tpu.memory_space<vmem>>, vector<1x8x256xf32>
      %get3A_254 = vector.shape_cast %get3A_253 : vector<1x8x256xf32> to vector<8x256xf32>
      %get3A_255 = arith.constant 0 : index
      %get3A_256 = arith.constant 0 : index
      %get3A_257 = arith.index_cast %add3A_249 : i32 to index
      %get3A_258 = memref.load %arg8[%get3A_255, %get3A_256, %get3A_257] : memref<1x3x1024xi32, #tpu.memory_space<smem>>
      %get3A_259 = arith.index_cast %get3A_258 : i32 to index
      %get3A_260 = arith.constant 0 : index
      %get3A_261 = arith.constant 0 : index
      %get3A_262 = vector.load %arg9[%get3A_259, %get3A_260, %get3A_261] : memref<2048x8x256xf32, #tpu.memory_space<vmem>>, vector<1x8x256xf32>
      %get3A_263 = vector.shape_cast %get3A_262 : vector<1x8x256xf32> to vector<8x256xf32>
      %max3A_264 = arith.maximumf %get3A_263, %get3A_254 : vector<8x256xf32>
      %swap3A_265 = arith.index_cast %get3A_258 : i32 to index
      %swap3A_266 = arith.constant 0 : index
      %swap3A_267 = arith.constant 0 : index
      %swap3A_268 = vector.load %arg9[%swap3A_265, %swap3A_266, %swap3A_267] : memref<2048x8x256xf32, #tpu.memory_space<vmem>>, vector<1x8x256xf32>
      %swap3A_269 = vector.shape_cast %swap3A_268 : vector<1x8x256xf32> to vector<8x256xf32>
      %swap3A_270 = vector.shape_cast %max3A_264 : vector<8x256xf32> to vector<1x8x256xf32>
      tpu.vector_store %arg9[%swap3A_265, %swap3A_266, %swap3A_267], %swap3A_270 {strides = array<i32>} : memref<2048x8x256xf32, #tpu.memory_space<vmem>>, vector<1x8x256xf32>,
      %get3A_271 = arith.constant 0 : index
      %get3A_272 = arith.constant 1 : index
      %get3A_273 = arith.index_cast %add3A_249 : i32 to index
      %get3A_274 = memref.load %arg8[%get3A_271, %get3A_272, %get3A_273] : memref<1x3x1024xi32, #tpu.memory_space<smem>>
      %get3A_275 = arith.index_cast %get3A_274 : i32 to index
      %get3A_276 = arith.constant 0 : index
      %get3A_277 = arith.constant 0 : index
      %get3A_278 = vector.load %arg9[%get3A_275, %get3A_276, %get3A_277] : memref<2048x8x256xf32, #tpu.memory_space<vmem>>, vector<1x8x256xf32>
      %get3A_279 = vector.shape_cast %get3A_278 : vector<1x8x256xf32> to vector<8x256xf32>
      %max3A_280 = arith.maximumf %get3A_279, %get3A_254 : vector<8x256xf32>
      %swap3A_281 = arith.index_cast %get3A_274 : i32 to index
      %swap3A_282 = arith.constant 0 : index
      %swap3A_283 = arith.constant 0 : index
      %swap3A_284 = vector.load %arg9[%swap3A_281, %swap3A_282, %swap3A_283] : memref<2048x8x256xf32, #tpu.memory_space<vmem>>, vector<1x8x256xf32>
      %swap3A_285 = vector.shape_cast %swap3A_284 : vector<1x8x256xf32> to vector<8x256xf32>
      %swap3A_286 = vector.shape_cast %max3A_280 : vector<8x256xf32> to vector<1x8x256xf32>
      tpu.vector_store %arg9[%swap3A_281, %swap3A_282, %swap3A_283], %swap3A_286 {strides = array<i32>} : memref<2048x8x256xf32, #tpu.memory_space<vmem>>, vector<1x8x256xf32>,
      %get3A_287 = arith.constant 0 : index
      %get3A_288 = arith.constant 2 : index
      %get3A_289 = arith.index_cast %add3A_249 : i32 to index
      %get3A_290 = memref.load %arg8[%get3A_287, %get3A_288, %get3A_289] : memref<1x3x1024xi32, #tpu.memory_space<smem>>
      %get3A_291 = arith.index_cast %get3A_290 : i32 to index
      %get3A_292 = arith.constant 0 : index
      %get3A_293 = arith.constant 0 : index
      %get3A_294 = vector.load %arg9[%get3A_291, %get3A_292, %get3A_293] : memref<2048x8x256xf32, #tpu.memory_space<vmem>>, vector<1x8x256xf32>
      %get3A_295 = vector.shape_cast %get3A_294 : vector<1x8x256xf32> to vector<8x256xf32>
      %max3A_296 = arith.maximumf %get3A_295, %get3A_254 : vector<8x256xf32>
      %swap3A_297 = arith.index_cast %get3A_290 : i32 to index
      %swap3A_298 = arith.constant 0 : index
      %swap3A_299 = arith.constant 0 : index
      %swap3A_300 = vector.load %arg9[%swap3A_297, %swap3A_298, %swap3A_299] : memref<2048x8x256xf32, #tpu.memory_space<vmem>>, vector<1x8x256xf32>
      %swap3A_301 = vector.shape_cast %swap3A_300 : vector<1x8x256xf32> to vector<8x256xf32>
      %swap3A_302 = vector.shape_cast %max3A_296 : vector<8x256xf32> to vector<1x8x256xf32>
      tpu.vector_store %arg9[%swap3A_297, %swap3A_298, %swap3A_299], %swap3A_302 {strides = array<i32>} : memref<2048x8x256xf32, #tpu.memory_space<vmem>>, vector<1x8x256xf32>,
      %mul3A_303 = arith.constant 16 : i32
      %mul3A_304 = arith.muli %scan3A_75, %mul3A_303 : i32
      %add3A_305 = arith.constant 4 : i32
      %add3A_306 = arith.addi %mul3A_304, %add3A_305 : i32
      %get3A_307 = arith.index_cast %add3A_306 : i32 to index
      %get3A_308 = arith.constant 0 : index
      %get3A_309 = arith.constant 0 : index
      %get3A_310 = vector.load %arg11[%get3A_307, %get3A_308, %get3A_309] : memref<1024x8x256xf32, #tpu.memory_space<vmem>>, vector<1x8x256xf32>
      %get3A_311 = vector.shape_cast %get3A_310 : vector<1x8x256xf32> to vector<8x256xf32>
      %get3A_312 = arith.constant 0 : index
      %get3A_313 = arith.constant 0 : index
      %get3A_314 = arith.index_cast %add3A_306 : i32 to index
      %get3A_315 = memref.load %arg8[%get3A_312, %get3A_313, %get3A_314] : memref<1x3x1024xi32, #tpu.memory_space<smem>>
      %get3A_316 = arith.index_cast %get3A_315 : i32 to index
      %get3A_317 = arith.constant 0 : index
      %get3A_318 = arith.constant 0 : index
      %get3A_319 = vector.load %arg9[%get3A_316, %get3A_317, %get3A_318] : memref<2048x8x256xf32, #tpu.memory_space<vmem>>, vector<1x8x256xf32>
      %get3A_320 = vector.shape_cast %get3A_319 : vector<1x8x256xf32> to vector<8x256xf32>
      %max3A_321 = arith.maximumf %get3A_320, %get3A_311 : vector<8x256xf32>
      %swap3A_322 = arith.index_cast %get3A_315 : i32 to index
      %swap3A_323 = arith.constant 0 : index
      %swap3A_324 = arith.constant 0 : index
      %swap3A_325 = vector.load %arg9[%swap3A_322, %swap3A_323, %swap3A_324] : memref<2048x8x256xf32, #tpu.memory_space<vmem>>, vector<1x8x256xf32>
      %swap3A_326 = vector.shape_cast %swap3A_325 : vector<1x8x256xf32> to vector<8x256xf32>
      %swap3A_327 = vector.shape_cast %max3A_321 : vector<8x256xf32> to vector<1x8x256xf32>
      tpu.vector_store %arg9[%swap3A_322, %swap3A_323, %swap3A_324], %swap3A_327 {strides = array<i32>} : memref<2048x8x256xf32, #tpu.memory_space<vmem>>, vector<1x8x256xf32>,
      %get3A_328 = arith.constant 0 : index
      %get3A_329 = arith.constant 1 : index
      %get3A_330 = arith.index_cast %add3A_306 : i32 to index
      %get3A_331 = memref.load %arg8[%get3A_328, %get3A_329, %get3A_330] : memref<1x3x1024xi32, #tpu.memory_space<smem>>
      %get3A_332 = arith.index_cast %get3A_331 : i32 to index
      %get3A_333 = arith.constant 0 : index
      %get3A_334 = arith.constant 0 : index
      %get3A_335 = vector.load %arg9[%get3A_332, %get3A_333, %get3A_334] : memref<2048x8x256xf32, #tpu.memory_space<vmem>>, vector<1x8x256xf32>
      %get3A_336 = vector.shape_cast %get3A_335 : vector<1x8x256xf32> to vector<8x256xf32>
      %max3A_337 = arith.maximumf %get3A_336, %get3A_311 : vector<8x256xf32>
      %swap3A_338 = arith.index_cast %get3A_331 : i32 to index
      %swap3A_339 = arith.constant 0 : index
      %swap3A_340 = arith.constant 0 : index
      %swap3A_341 = vector.load %arg9[%swap3A_338, %swap3A_339, %swap3A_340] : memref<2048x8x256xf32, #tpu.memory_space<vmem>>, vector<1x8x256xf32>
      %swap3A_342 = vector.shape_cast %swap3A_341 : vector<1x8x256xf32> to vector<8x256xf32>
      %swap3A_343 = vector.shape_cast %max3A_337 : vector<8x256xf32> to vector<1x8x256xf32>
      tpu.vector_store %arg9[%swap3A_338, %swap3A_339, %swap3A_340], %swap3A_343 {strides = array<i32>} : memref<2048x8x256xf32, #tpu.memory_space<vmem>>, vector<1x8x256xf32>,
      %get3A_344 = arith.constant 0 : index
      %get3A_345 = arith.constant 2 : index
      %get3A_346 = arith.index_cast %add3A_306 : i32 to index
      %get3A_347 = memref.load %arg8[%get3A_344, %get3A_345, %get3A_346] : memref<1x3x1024xi32, #tpu.memory_space<smem>>
      %get3A_348 = arith.index_cast %get3A_347 : i32 to index
      %get3A_349 = arith.constant 0 : index
      %get3A_350 = arith.constant 0 : index
      %get3A_351 = vector.load %arg9[%get3A_348, %get3A_349, %get3A_350] : memref<2048x8x256xf32, #tpu.memory_space<vmem>>, vector<1x8x256xf32>
      %get3A_352 = vector.shape_cast %get3A_351 : vector<1x8x256xf32> to vector<8x256xf32>
      %max3A_353 = arith.maximumf %get3A_352, %get3A_311 : vector<8x256xf32>
      %swap3A_354 = arith.index_cast %get3A_347 : i32 to index
      %swap3A_355 = arith.constant 0 : index
      %swap3A_356 = arith.constant 0 : index
      %swap3A_357 = vector.load %arg9[%swap3A_354, %swap3A_355, %swap3A_356] : memref<2048x8x256xf32, #tpu.memory_space<vmem>>, vector<1x8x256xf32>
      %swap3A_358 = vector.shape_cast %swap3A_357 : vector<1x8x256xf32> to vector<8x256xf32>
      %swap3A_359 = vector.shape_cast %max3A_353 : vector<8x256xf32> to vector<1x8x256xf32>
      tpu.vector_store %arg9[%swap3A_354, %swap3A_355, %swap3A_356], %swap3A_359 {strides = array<i32>} : memref<2048x8x256xf32, #tpu.memory_space<vmem>>, vector<1x8x256xf32>,
      %mul3A_360 = arith.constant 16 : i32
      %mul3A_361 = arith.muli %scan3A_75, %mul3A_360 : i32
      %add3A_362 = arith.constant 5 : i32
      %add3A_363 = arith.addi %mul3A_361, %add3A_362 : i32
      %get3A_364 = arith.index_cast %add3A_363 : i32 to index
      %get3A_365 = arith.constant 0 : index
      %get3A_366 = arith.constant 0 : index
      %get3A_367 = vector.load %arg11[%get3A_364, %get3A_365, %get3A_366] : memref<1024x8x256xf32, #tpu.memory_space<vmem>>, vector<1x8x256xf32>
      %get3A_368 = vector.shape_cast %get3A_367 : vector<1x8x256xf32> to vector<8x256xf32>
      %get3A_369 = arith.constant 0 : index
      %get3A_370 = arith.constant 0 : index
      %get3A_371 = arith.index_cast %add3A_363 : i32 to index
      %get3A_372 = memref.load %arg8[%get3A_369, %get3A_370, %get3A_371] : memref<1x3x1024xi32, #tpu.memory_space<smem>>
      %get3A_373 = arith.index_cast %get3A_372 : i32 to index
      %get3A_374 = arith.constant 0 : index
      %get3A_375 = arith.constant 0 : index
      %get3A_376 = vector.load %arg9[%get3A_373, %get3A_374, %get3A_375] : memref<2048x8x256xf32, #tpu.memory_space<vmem>>, vector<1x8x256xf32>
      %get3A_377 = vector.shape_cast %get3A_376 : vector<1x8x256xf32> to vector<8x256xf32>
      %max3A_378 = arith.maximumf %get3A_377, %get3A_368 : vector<8x256xf32>
      %swap3A_379 = arith.index_cast %get3A_372 : i32 to index
      %swap3A_380 = arith.constant 0 : index
      %swap3A_381 = arith.constant 0 : index
      %swap3A_382 = vector.load %arg9[%swap3A_379, %swap3A_380, %swap3A_381] : memref<2048x8x256xf32, #tpu.memory_space<vmem>>, vector<1x8x256xf32>
      %swap3A_383 = vector.shape_cast %swap3A_382 : vector<1x8x256xf32> to vector<8x256xf32>
      %swap3A_384 = vector.shape_cast %max3A_378 : vector<8x256xf32> to vector<1x8x256xf32>
      tpu.vector_store %arg9[%swap3A_379, %swap3A_380, %swap3A_381], %swap3A_384 {strides = array<i32>} : memref<2048x8x256xf32, #tpu.memory_space<vmem>>, vector<1x8x256xf32>,
      %get3A_385 = arith.constant 0 : index
      %get3A_386 = arith.constant 1 : index
      %get3A_387 = arith.index_cast %add3A_363 : i32 to index
      %get3A_388 = memref.load %arg8[%get3A_385, %get3A_386, %get3A_387] : memref<1x3x1024xi32, #tpu.memory_space<smem>>
      %get3A_389 = arith.index_cast %get3A_388 : i32 to index
      %get3A_390 = arith.constant 0 : index
      %get3A_391 = arith.constant 0 : index
      %get3A_392 = vector.load %arg9[%get3A_389, %get3A_390, %get3A_391] : memref<2048x8x256xf32, #tpu.memory_space<vmem>>, vector<1x8x256xf32>
      %get3A_393 = vector.shape_cast %get3A_392 : vector<1x8x256xf32> to vector<8x256xf32>
      %max3A_394 = arith.maximumf %get3A_393, %get3A_368 : vector<8x256xf32>
      %swap3A_395 = arith.index_cast %get3A_388 : i32 to index
      %swap3A_396 = arith.constant 0 : index
      %swap3A_397 = arith.constant 0 : index
      %swap3A_398 = vector.load %arg9[%swap3A_395, %swap3A_396, %swap3A_397] : memref<2048x8x256xf32, #tpu.memory_space<vmem>>, vector<1x8x256xf32>
      %swap3A_399 = vector.shape_cast %swap3A_398 : vector<1x8x256xf32> to vector<8x256xf32>
      %swap3A_400 = vector.shape_cast %max3A_394 : vector<8x256xf32> to vector<1x8x256xf32>
      tpu.vector_store %arg9[%swap3A_395, %swap3A_396, %swap3A_397], %swap3A_400 {strides = array<i32>} : memref<2048x8x256xf32, #tpu.memory_space<vmem>>, vector<1x8x256xf32>,
      %get3A_401 = arith.constant 0 : index
      %get3A_402 = arith.constant 2 : index
      %get3A_403 = arith.index_cast %add3A_363 : i32 to index
      %get3A_404 = memref.load %arg8[%get3A_401, %get3A_402, %get3A_403] : memref<1x3x1024xi32, #tpu.memory_space<smem>>
      %get3A_405 = arith.index_cast %get3A_404 : i32 to index
      %get3A_406 = arith.constant 0 : index
      %get3A_407 = arith.constant 0 : index
      %get3A_408 = vector.load %arg9[%get3A_405, %get3A_406, %get3A_407] : memref<2048x8x256xf32, #tpu.memory_space<vmem>>, vector<1x8x256xf32>
      %get3A_409 = vector.shape_cast %get3A_408 : vector<1x8x256xf32> to vector<8x256xf32>
      %max3A_410 = arith.maximumf %get3A_409, %get3A_368 : vector<8x256xf32>
      %swap3A_411 = arith.index_cast %get3A_404 : i32 to index
      %swap3A_412 = arith.constant 0 : index
      %swap3A_413 = arith.constant 0 : index
      %swap3A_414 = vector.load %arg9[%swap3A_411, %swap3A_412, %swap3A_413] : memref<2048x8x256xf32, #tpu.memory_space<vmem>>, vector<1x8x256xf32>
      %swap3A_415 = vector.shape_cast %swap3A_414 : vector<1x8x256xf32> to vector<8x256xf32>
      %swap3A_416 = vector.shape_cast %max3A_410 : vector<8x256xf32> to vector<1x8x256xf32>
      tpu.vector_store %arg9[%swap3A_411, %swap3A_412, %swap3A_413], %swap3A_416 {strides = array<i32>} : memref<2048x8x256xf32, #tpu.memory_space<vmem>>, vector<1x8x256xf32>,
      %mul3A_417 = arith.constant 16 : i32
      %mul3A_418 = arith.muli %scan3A_75, %mul3A_417 : i32
      %add3A_419 = arith.constant 6 : i32
      %add3A_420 = arith.addi %mul3A_418, %add3A_419 : i32
      %get3A_421 = arith.index_cast %add3A_420 : i32 to index
      %get3A_422 = arith.constant 0 : index
      %get3A_423 = arith.constant 0 : index
      %get3A_424 = vector.load %arg11[%get3A_421, %get3A_422, %get3A_423] : memref<1024x8x256xf32, #tpu.memory_space<vmem>>, vector<1x8x256xf32>
      %get3A_425 = vector.shape_cast %get3A_424 : vector<1x8x256xf32> to vector<8x256xf32>
      %get3A_426 = arith.constant 0 : index
      %get3A_427 = arith.constant 0 : index
      %get3A_428 = arith.index_cast %add3A_420 : i32 to index
      %get3A_429 = memref.load %arg8[%get3A_426, %get3A_427, %get3A_428] : memref<1x3x1024xi32, #tpu.memory_space<smem>>
      %get3A_430 = arith.index_cast %get3A_429 : i32 to index
      %get3A_431 = arith.constant 0 : index
      %get3A_432 = arith.constant 0 : index
      %get3A_433 = vector.load %arg9[%get3A_430, %get3A_431, %get3A_432] : memref<2048x8x256xf32, #tpu.memory_space<vmem>>, vector<1x8x256xf32>
      %get3A_434 = vector.shape_cast %get3A_433 : vector<1x8x256xf32> to vector<8x256xf32>
      %max3A_435 = arith.maximumf %get3A_434, %get3A_425 : vector<8x256xf32>
      %swap3A_436 = arith.index_cast %get3A_429 : i32 to index
      %swap3A_437 = arith.constant 0 : index
      %swap3A_438 = arith.constant 0 : index
      %swap3A_439 = vector.load %arg9[%swap3A_436, %swap3A_437, %swap3A_438] : memref<2048x8x256xf32, #tpu.memory_space<vmem>>, vector<1x8x256xf32>
      %swap3A_440 = vector.shape_cast %swap3A_439 : vector<1x8x256xf32> to vector<8x256xf32>
      %swap3A_441 = vector.shape_cast %max3A_435 : vector<8x256xf32> to vector<1x8x256xf32>
      tpu.vector_store %arg9[%swap3A_436, %swap3A_437, %swap3A_438], %swap3A_441 {strides = array<i32>} : memref<2048x8x256xf32, #tpu.memory_space<vmem>>, vector<1x8x256xf32>,
      %get3A_442 = arith.constant 0 : index
      %get3A_443 = arith.constant 1 : index
      %get3A_444 = arith.index_cast %add3A_420 : i32 to index
      %get3A_445 = memref.load %arg8[%get3A_442, %get3A_443, %get3A_444] : memref<1x3x1024xi32, #tpu.memory_space<smem>>
      %get3A_446 = arith.index_cast %get3A_445 : i32 to index
      %get3A_447 = arith.constant 0 : index
      %get3A_448 = arith.constant 0 : index
      %get3A_449 = vector.load %arg9[%get3A_446, %get3A_447, %get3A_448] : memref<2048x8x256xf32, #tpu.memory_space<vmem>>, vector<1x8x256xf32>
      %get3A_450 = vector.shape_cast %get3A_449 : vector<1x8x256xf32> to vector<8x256xf32>
      %max3A_451 = arith.maximumf %get3A_450, %get3A_425 : vector<8x256xf32>
      %swap3A_452 = arith.index_cast %get3A_445 : i32 to index
      %swap3A_453 = arith.constant 0 : index
      %swap3A_454 = arith.constant 0 : index
      %swap3A_455 = vector.load %arg9[%swap3A_452, %swap3A_453, %swap3A_454] : memref<2048x8x256xf32, #tpu.memory_space<vmem>>, vector<1x8x256xf32>
      %swap3A_456 = vector.shape_cast %swap3A_455 : vector<1x8x256xf32> to vector<8x256xf32>
      %swap3A_457 = vector.shape_cast %max3A_451 : vector<8x256xf32> to vector<1x8x256xf32>
      tpu.vector_store %arg9[%swap3A_452, %swap3A_453, %swap3A_454], %swap3A_457 {strides = array<i32>} : memref<2048x8x256xf32, #tpu.memory_space<vmem>>, vector<1x8x256xf32>,
      %get3A_458 = arith.constant 0 : index
      %get3A_459 = arith.constant 2 : index
      %get3A_460 = arith.index_cast %add3A_420 : i32 to index
      %get3A_461 = memref.load %arg8[%get3A_458, %get3A_459, %get3A_460] : memref<1x3x1024xi32, #tpu.memory_space<smem>>
      %get3A_462 = arith.index_cast %get3A_461 : i32 to index
      %get3A_463 = arith.constant 0 : index
      %get3A_464 = arith.constant 0 : index
      %get3A_465 = vector.load %arg9[%get3A_462, %get3A_463, %get3A_464] : memref<2048x8x256xf32, #tpu.memory_space<vmem>>, vector<1x8x256xf32>
      %get3A_466 = vector.shape_cast %get3A_465 : vector<1x8x256xf32> to vector<8x256xf32>
      %max3A_467 = arith.maximumf %get3A_466, %get3A_425 : vector<8x256xf32>
      %swap3A_468 = arith.index_cast %get3A_461 : i32 to index
      %swap3A_469 = arith.constant 0 : index
      %swap3A_470 = arith.constant 0 : index
      %swap3A_471 = vector.load %arg9[%swap3A_468, %swap3A_469, %swap3A_470] : memref<2048x8x256xf32, #tpu.memory_space<vmem>>, vector<1x8x256xf32>
      %swap3A_472 = vector.shape_cast %swap3A_471 : vector<1x8x256xf32> to vector<8x256xf32>
      %swap3A_473 = vector.shape_cast %max3A_467 : vector<8x256xf32> to vector<1x8x256xf32>
      tpu.vector_store %arg9[%swap3A_468, %swap3A_469, %swap3A_470], %swap3A_473 {strides = array<i32>} : memref<2048x8x256xf32, #tpu.memory_space<vmem>>, vector<1x8x256xf32>,
      %mul3A_474 = arith.constant 16 : i32
      %mul3A_475 = arith.muli %scan3A_75, %mul3A_474 : i32
      %add3A_476 = arith.constant 7 : i32
      %add3A_477 = arith.addi %mul3A_475, %add3A_476 : i32
      %get3A_478 = arith.index_cast %add3A_477 : i32 to index
      %get3A_479 = arith.constant 0 : index
      %get3A_480 = arith.constant 0 : index
      %get3A_481 = vector.load %arg11[%get3A_478, %get3A_479, %get3A_480] : memref<1024x8x256xf32, #tpu.memory_space<vmem>>, vector<1x8x256xf32>
      %get3A_482 = vector.shape_cast %get3A_481 : vector<1x8x256xf32> to vector<8x256xf32>
      %get3A_483 = arith.constant 0 : index
      %get3A_484 = arith.constant 0 : index
      %get3A_485 = arith.index_cast %add3A_477 : i32 to index
      %get3A_486 = memref.load %arg8[%get3A_483, %get3A_484, %get3A_485] : memref<1x3x1024xi32, #tpu.memory_space<smem>>
      %get3A_487 = arith.index_cast %get3A_486 : i32 to index
      %get3A_488 = arith.constant 0 : index
      %get3A_489 = arith.constant 0 : index
      %get3A_490 = vector.load %arg9[%get3A_487, %get3A_488, %get3A_489] : memref<2048x8x256xf32, #tpu.memory_space<vmem>>, vector<1x8x256xf32>
      %get3A_491 = vector.shape_cast %get3A_490 : vector<1x8x256xf32> to vector<8x256xf32>
      %max3A_492 = arith.maximumf %get3A_491, %get3A_482 : vector<8x256xf32>
      %swap3A_493 = arith.index_cast %get3A_486 : i32 to index
      %swap3A_494 = arith.constant 0 : index
      %swap3A_495 = arith.constant 0 : index
      %swap3A_496 = vector.load %arg9[%swap3A_493, %swap3A_494, %swap3A_495] : memref<2048x8x256xf32, #tpu.memory_space<vmem>>, vector<1x8x256xf32>
      %swap3A_497 = vector.shape_cast %swap3A_496 : vector<1x8x256xf32> to vector<8x256xf32>
      %swap3A_498 = vector.shape_cast %max3A_492 : vector<8x256xf32> to vector<1x8x256xf32>
      tpu.vector_store %arg9[%swap3A_493, %swap3A_494, %swap3A_495], %swap3A_498 {strides = array<i32>} : memref<2048x8x256xf32, #tpu.memory_space<vmem>>, vector<1x8x256xf32>,
      %get3A_499 = arith.constant 0 : index
      %get3A_500 = arith.constant 1 : index
      %get3A_501 = arith.index_cast %add3A_477 : i32 to index
      %get3A_502 = memref.load %arg8[%get3A_499, %get3A_500, %get3A_501] : memref<1x3x1024xi32, #tpu.memory_space<smem>>
      %get3A_503 = arith.index_cast %get3A_502 : i32 to index
      %get3A_504 = arith.constant 0 : index
      %get3A_505 = arith.constant 0 : index
      %get3A_506 = vector.load %arg9[%get3A_503, %get3A_504, %get3A_505] : memref<2048x8x256xf32, #tpu.memory_space<vmem>>, vector<1x8x256xf32>
      %get3A_507 = vector.shape_cast %get3A_506 : vector<1x8x256xf32> to vector<8x256xf32>
      %max3A_508 = arith.maximumf %get3A_507, %get3A_482 : vector<8x256xf32>
      %swap3A_509 = arith.index_cast %get3A_502 : i32 to index
      %swap3A_510 = arith.constant 0 : index
      %swap3A_511 = arith.constant 0 : index
      %swap3A_512 = vector.load %arg9[%swap3A_509, %swap3A_510, %swap3A_511] : memref<2048x8x256xf32, #tpu.memory_space<vmem>>, vector<1x8x256xf32>
      %swap3A_513 = vector.shape_cast %swap3A_512 : vector<1x8x256xf32> to vector<8x256xf32>
      %swap3A_514 = vector.shape_cast %max3A_508 : vector<8x256xf32> to vector<1x8x256xf32>
      tpu.vector_store %arg9[%swap3A_509, %swap3A_510, %swap3A_511], %swap3A_514 {strides = array<i32>} : memref<2048x8x256xf32, #tpu.memory_space<vmem>>, vector<1x8x256xf32>,
      %get3A_515 = arith.constant 0 : index
      %get3A_516 = arith.constant 2 : index
      %get3A_517 = arith.index_cast %add3A_477 : i32 to index
      %get3A_518 = memref.load %arg8[%get3A_515, %get3A_516, %get3A_517] : memref<1x3x1024xi32, #tpu.memory_space<smem>>
      %get3A_519 = arith.index_cast %get3A_518 : i32 to index
      %get3A_520 = arith.constant 0 : index
      %get3A_521 = arith.constant 0 : index
      %get3A_522 = vector.load %arg9[%get3A_519, %get3A_520, %get3A_521] : memref<2048x8x256xf32, #tpu.memory_space<vmem>>, vector<1x8x256xf32>
      %get3A_523 = vector.shape_cast %get3A_522 : vector<1x8x256xf32> to vector<8x256xf32>
      %max3A_524 = arith.maximumf %get3A_523, %get3A_482 : vector<8x256xf32>
      %swap3A_525 = arith.index_cast %get3A_518 : i32 to index
      %swap3A_526 = arith.constant 0 : index
      %swap3A_527 = arith.constant 0 : index
      %swap3A_528 = vector.load %arg9[%swap3A_525, %swap3A_526, %swap3A_527] : memref<2048x8x256xf32, #tpu.memory_space<vmem>>, vector<1x8x256xf32>
      %swap3A_529 = vector.shape_cast %swap3A_528 : vector<1x8x256xf32> to vector<8x256xf32>
      %swap3A_530 = vector.shape_cast %max3A_524 : vector<8x256xf32> to vector<1x8x256xf32>
      tpu.vector_store %arg9[%swap3A_525, %swap3A_526, %swap3A_527], %swap3A_530 {strides = array<i32>} : memref<2048x8x256xf32, #tpu.memory_space<vmem>>, vector<1x8x256xf32>,
      %mul3A_531 = arith.constant 16 : i32
      %mul3A_532 = arith.muli %scan3A_75, %mul3A_531 : i32
      %add3A_533 = arith.constant 8 : i32
      %add3A_534 = arith.addi %mul3A_532, %add3A_533 : i32
      %get3A_535 = arith.index_cast %add3A_534 : i32 to index
      %get3A_536 = arith.constant 0 : index
      %get3A_537 = arith.constant 0 : index
      %get3A_538 = vector.load %arg11[%get3A_535, %get3A_536, %get3A_537] : memref<1024x8x256xf32, #tpu.memory_space<vmem>>, vector<1x8x256xf32>
      %get3A_539 = vector.shape_cast %get3A_538 : vector<1x8x256xf32> to vector<8x256xf32>
      %get3A_540 = arith.constant 0 : index
      %get3A_541 = arith.constant 0 : index
      %get3A_542 = arith.index_cast %add3A_534 : i32 to index
      %get3A_543 = memref.load %arg8[%get3A_540, %get3A_541, %get3A_542] : memref<1x3x1024xi32, #tpu.memory_space<smem>>
      %get3A_544 = arith.index_cast %get3A_543 : i32 to index
      %get3A_545 = arith.constant 0 : index
      %get3A_546 = arith.constant 0 : index
      %get3A_547 = vector.load %arg9[%get3A_544, %get3A_545, %get3A_546] : memref<2048x8x256xf32, #tpu.memory_space<vmem>>, vector<1x8x256xf32>
      %get3A_548 = vector.shape_cast %get3A_547 : vector<1x8x256xf32> to vector<8x256xf32>
      %max3A_549 = arith.maximumf %get3A_548, %get3A_539 : vector<8x256xf32>
      %swap3A_550 = arith.index_cast %get3A_543 : i32 to index
      %swap3A_551 = arith.constant 0 : index
      %swap3A_552 = arith.constant 0 : index
      %swap3A_553 = vector.load %arg9[%swap3A_550, %swap3A_551, %swap3A_552] : memref<2048x8x256xf32, #tpu.memory_space<vmem>>, vector<1x8x256xf32>
      %swap3A_554 = vector.shape_cast %swap3A_553 : vector<1x8x256xf32> to vector<8x256xf32>
      %swap3A_555 = vector.shape_cast %max3A_549 : vector<8x256xf32> to vector<1x8x256xf32>
      tpu.vector_store %arg9[%swap3A_550, %swap3A_551, %swap3A_552], %swap3A_555 {strides = array<i32>} : memref<2048x8x256xf32, #tpu.memory_space<vmem>>, vector<1x8x256xf32>,
      %get3A_556 = arith.constant 0 : index
      %get3A_557 = arith.constant 1 : index
      %get3A_558 = arith.index_cast %add3A_534 : i32 to index
      %get3A_559 = memref.load %arg8[%get3A_556, %get3A_557, %get3A_558] : memref<1x3x1024xi32, #tpu.memory_space<smem>>
      %get3A_560 = arith.index_cast %get3A_559 : i32 to index
      %get3A_561 = arith.constant 0 : index
      %get3A_562 = arith.constant 0 : index
      %get3A_563 = vector.load %arg9[%get3A_560, %get3A_561, %get3A_562] : memref<2048x8x256xf32, #tpu.memory_space<vmem>>, vector<1x8x256xf32>
      %get3A_564 = vector.shape_cast %get3A_563 : vector<1x8x256xf32> to vector<8x256xf32>
      %max3A_565 = arith.maximumf %get3A_564, %get3A_539 : vector<8x256xf32>
      %swap3A_566 = arith.index_cast %get3A_559 : i32 to index
      %swap3A_567 = arith.constant 0 : index
      %swap3A_568 = arith.constant 0 : index
      %swap3A_569 = vector.load %arg9[%swap3A_566, %swap3A_567, %swap3A_568] : memref<2048x8x256xf32, #tpu.memory_space<vmem>>, vector<1x8x256xf32>
      %swap3A_570 = vector.shape_cast %swap3A_569 : vector<1x8x256xf32> to vector<8x256xf32>
      %swap3A_571 = vector.shape_cast %max3A_565 : vector<8x256xf32> to vector<1x8x256xf32>
      tpu.vector_store %arg9[%swap3A_566, %swap3A_567, %swap3A_568], %swap3A_571 {strides = array<i32>} : memref<2048x8x256xf32, #tpu.memory_space<vmem>>, vector<1x8x256xf32>,
      %get3A_572 = arith.constant 0 : index
      %get3A_573 = arith.constant 2 : index
      %get3A_574 = arith.index_cast %add3A_534 : i32 to index
      %get3A_575 = memref.load %arg8[%get3A_572, %get3A_573, %get3A_574] : memref<1x3x1024xi32, #tpu.memory_space<smem>>
      %get3A_576 = arith.index_cast %get3A_575 : i32 to index
      %get3A_577 = arith.constant 0 : index
      %get3A_578 = arith.constant 0 : index
      %get3A_579 = vector.load %arg9[%get3A_576, %get3A_577, %get3A_578] : memref<2048x8x256xf32, #tpu.memory_space<vmem>>, vector<1x8x256xf32>
      %get3A_580 = vector.shape_cast %get3A_579 : vector<1x8x256xf32> to vector<8x256xf32>
      %max3A_581 = arith.maximumf %get3A_580, %get3A_539 : vector<8x256xf32>
      %swap3A_582 = arith.index_cast %get3A_575 : i32 to index
      %swap3A_583 = arith.constant 0 : index
      %swap3A_584 = arith.constant 0 : index
      %swap3A_585 = vector.load %arg9[%swap3A_582, %swap3A_583, %swap3A_584] : memref<2048x8x256xf32, #tpu.memory_space<vmem>>, vector<1x8x256xf32>
      %swap3A_586 = vector.shape_cast %swap3A_585 : vector<1x8x256xf32> to vector<8x256xf32>
      %swap3A_587 = vector.shape_cast %max3A_581 : vector<8x256xf32> to vector<1x8x256xf32>
      tpu.vector_store %arg9[%swap3A_582, %swap3A_583, %swap3A_584], %swap3A_587 {strides = array<i32>} : memref<2048x8x256xf32, #tpu.memory_space<vmem>>, vector<1x8x256xf32>,
      %mul3A_588 = arith.constant 16 : i32
      %mul3A_589 = arith.muli %scan3A_75, %mul3A_588 : i32
      %add3A_590 = arith.constant 9 : i32
      %add3A_591 = arith.addi %mul3A_589, %add3A_590 : i32
      %get3A_592 = arith.index_cast %add3A_591 : i32 to index
      %get3A_593 = arith.constant 0 : index
      %get3A_594 = arith.constant 0 : index
      %get3A_595 = vector.load %arg11[%get3A_592, %get3A_593, %get3A_594] : memref<1024x8x256xf32, #tpu.memory_space<vmem>>, vector<1x8x256xf32>
      %get3A_596 = vector.shape_cast %get3A_595 : vector<1x8x256xf32> to vector<8x256xf32>
      %get3A_597 = arith.constant 0 : index
      %get3A_598 = arith.constant 0 : index
      %get3A_599 = arith.index_cast %add3A_591 : i32 to index
      %get3A_600 = memref.load %arg8[%get3A_597, %get3A_598, %get3A_599] : memref<1x3x1024xi32, #tpu.memory_space<smem>>
      %get3A_601 = arith.index_cast %get3A_600 : i32 to index
      %get3A_602 = arith.constant 0 : index
      %get3A_603 = arith.constant 0 : index
      %get3A_604 = vector.load %arg9[%get3A_601, %get3A_602, %get3A_603] : memref<2048x8x256xf32, #tpu.memory_space<vmem>>, vector<1x8x256xf32>
      %get3A_605 = vector.shape_cast %get3A_604 : vector<1x8x256xf32> to vector<8x256xf32>
      %max3A_606 = arith.maximumf %get3A_605, %get3A_596 : vector<8x256xf32>
      %swap3A_607 = arith.index_cast %get3A_600 : i32 to index
      %swap3A_608 = arith.constant 0 : index
      %swap3A_609 = arith.constant 0 : index
      %swap3A_610 = vector.load %arg9[%swap3A_607, %swap3A_608, %swap3A_609] : memref<2048x8x256xf32, #tpu.memory_space<vmem>>, vector<1x8x256xf32>
      %swap3A_611 = vector.shape_cast %swap3A_610 : vector<1x8x256xf32> to vector<8x256xf32>
      %swap3A_612 = vector.shape_cast %max3A_606 : vector<8x256xf32> to vector<1x8x256xf32>
      tpu.vector_store %arg9[%swap3A_607, %swap3A_608, %swap3A_609], %swap3A_612 {strides = array<i32>} : memref<2048x8x256xf32, #tpu.memory_space<vmem>>, vector<1x8x256xf32>,
      %get3A_613 = arith.constant 0 : index
      %get3A_614 = arith.constant 1 : index
      %get3A_615 = arith.index_cast %add3A_591 : i32 to index
      %get3A_616 = memref.load %arg8[%get3A_613, %get3A_614, %get3A_615] : memref<1x3x1024xi32, #tpu.memory_space<smem>>
      %get3A_617 = arith.index_cast %get3A_616 : i32 to index
      %get3A_618 = arith.constant 0 : index
      %get3A_619 = arith.constant 0 : index
      %get3A_620 = vector.load %arg9[%get3A_617, %get3A_618, %get3A_619] : memref<2048x8x256xf32, #tpu.memory_space<vmem>>, vector<1x8x256xf32>
      %get3A_621 = vector.shape_cast %get3A_620 : vector<1x8x256xf32> to vector<8x256xf32>
      %max3A_622 = arith.maximumf %get3A_621, %get3A_596 : vector<8x256xf32>
      %swap3A_623 = arith.index_cast %get3A_616 : i32 to index
      %swap3A_624 = arith.constant 0 : index
      %swap3A_625 = arith.constant 0 : index
      %swap3A_626 = vector.load %arg9[%swap3A_623, %swap3A_624, %swap3A_625] : memref<2048x8x256xf32, #tpu.memory_space<vmem>>, vector<1x8x256xf32>
      %swap3A_627 = vector.shape_cast %swap3A_626 : vector<1x8x256xf32> to vector<8x256xf32>
      %swap3A_628 = vector.shape_cast %max3A_622 : vector<8x256xf32> to vector<1x8x256xf32>
      tpu.vector_store %arg9[%swap3A_623, %swap3A_624, %swap3A_625], %swap3A_628 {strides = array<i32>} : memref<2048x8x256xf32, #tpu.memory_space<vmem>>, vector<1x8x256xf32>,
      %get3A_629 = arith.constant 0 : index
      %get3A_630 = arith.constant 2 : index
      %get3A_631 = arith.index_cast %add3A_591 : i32 to index
      %get3A_632 = memref.load %arg8[%get3A_629, %get3A_630, %get3A_631] : memref<1x3x1024xi32, #tpu.memory_space<smem>>
      %get3A_633 = arith.index_cast %get3A_632 : i32 to index
      %get3A_634 = arith.constant 0 : index
      %get3A_635 = arith.constant 0 : index
      %get3A_636 = vector.load %arg9[%get3A_633, %get3A_634, %get3A_635] : memref<2048x8x256xf32, #tpu.memory_space<vmem>>, vector<1x8x256xf32>
      %get3A_637 = vector.shape_cast %get3A_636 : vector<1x8x256xf32> to vector<8x256xf32>
      %max3A_638 = arith.maximumf %get3A_637, %get3A_596 : vector<8x256xf32>
      %swap3A_639 = arith.index_cast %get3A_632 : i32 to index
      %swap3A_640 = arith.constant 0 : index
      %swap3A_641 = arith.constant 0 : index
      %swap3A_642 = vector.load %arg9[%swap3A_639, %swap3A_640, %swap3A_641] : memref<2048x8x256xf32, #tpu.memory_space<vmem>>, vector<1x8x256xf32>
      %swap3A_643 = vector.shape_cast %swap3A_642 : vector<1x8x256xf32> to vector<8x256xf32>
      %swap3A_644 = vector.shape_cast %max3A_638 : vector<8x256xf32> to vector<1x8x256xf32>
      tpu.vector_store %arg9[%swap3A_639, %swap3A_640, %swap3A_641], %swap3A_644 {strides = array<i32>} : memref<2048x8x256xf32, #tpu.memory_space<vmem>>, vector<1x8x256xf32>,
      %mul3A_645 = arith.constant 16 : i32
      %mul3A_646 = arith.muli %scan3A_75, %mul3A_645 : i32
      %add3A_647 = arith.constant 10 : i32
      %add3A_648 = arith.addi %mul3A_646, %add3A_647 : i32
      %get3A_649 = arith.index_cast %add3A_648 : i32 to index
      %get3A_650 = arith.constant 0 : index
      %get3A_651 = arith.constant 0 : index
      %get3A_652 = vector.load %arg11[%get3A_649, %get3A_650, %get3A_651] : memref<1024x8x256xf32, #tpu.memory_space<vmem>>, vector<1x8x256xf32>
      %get3A_653 = vector.shape_cast %get3A_652 : vector<1x8x256xf32> to vector<8x256xf32>
      %get3A_654 = arith.constant 0 : index
      %get3A_655 = arith.constant 0 : index
      %get3A_656 = arith.index_cast %add3A_648 : i32 to index
      %get3A_657 = memref.load %arg8[%get3A_654, %get3A_655, %get3A_656] : memref<1x3x1024xi32, #tpu.memory_space<smem>>
      %get3A_658 = arith.index_cast %get3A_657 : i32 to index
      %get3A_659 = arith.constant 0 : index
      %get3A_660 = arith.constant 0 : index
      %get3A_661 = vector.load %arg9[%get3A_658, %get3A_659, %get3A_660] : memref<2048x8x256xf32, #tpu.memory_space<vmem>>, vector<1x8x256xf32>
      %get3A_662 = vector.shape_cast %get3A_661 : vector<1x8x256xf32> to vector<8x256xf32>
      %max3A_663 = arith.maximumf %get3A_662, %get3A_653 : vector<8x256xf32>
      %swap3A_664 = arith.index_cast %get3A_657 : i32 to index
      %swap3A_665 = arith.constant 0 : index
      %swap3A_666 = arith.constant 0 : index
      %swap3A_667 = vector.load %arg9[%swap3A_664, %swap3A_665, %swap3A_666] : memref<2048x8x256xf32, #tpu.memory_space<vmem>>, vector<1x8x256xf32>
      %swap3A_668 = vector.shape_cast %swap3A_667 : vector<1x8x256xf32> to vector<8x256xf32>
      %swap3A_669 = vector.shape_cast %max3A_663 : vector<8x256xf32> to vector<1x8x256xf32>
      tpu.vector_store %arg9[%swap3A_664, %swap3A_665, %swap3A_666], %swap3A_669 {strides = array<i32>} : memref<2048x8x256xf32, #tpu.memory_space<vmem>>, vector<1x8x256xf32>,
      %get3A_670 = arith.constant 0 : index
      %get3A_671 = arith.constant 1 : index
      %get3A_672 = arith.index_cast %add3A_648 : i32 to index
      %get3A_673 = memref.load %arg8[%get3A_670, %get3A_671, %get3A_672] : memref<1x3x1024xi32, #tpu.memory_space<smem>>
      %get3A_674 = arith.index_cast %get3A_673 : i32 to index
      %get3A_675 = arith.constant 0 : index
      %get3A_676 = arith.constant 0 : index
      %get3A_677 = vector.load %arg9[%get3A_674, %get3A_675, %get3A_676] : memref<2048x8x256xf32, #tpu.memory_space<vmem>>, vector<1x8x256xf32>
      %get3A_678 = vector.shape_cast %get3A_677 : vector<1x8x256xf32> to vector<8x256xf32>
      %max3A_679 = arith.maximumf %get3A_678, %get3A_653 : vector<8x256xf32>
      %swap3A_680 = arith.index_cast %get3A_673 : i32 to index
      %swap3A_681 = arith.constant 0 : index
      %swap3A_682 = arith.constant 0 : index
      %swap3A_683 = vector.load %arg9[%swap3A_680, %swap3A_681, %swap3A_682] : memref<2048x8x256xf32, #tpu.memory_space<vmem>>, vector<1x8x256xf32>
      %swap3A_684 = vector.shape_cast %swap3A_683 : vector<1x8x256xf32> to vector<8x256xf32>
      %swap3A_685 = vector.shape_cast %max3A_679 : vector<8x256xf32> to vector<1x8x256xf32>
      tpu.vector_store %arg9[%swap3A_680, %swap3A_681, %swap3A_682], %swap3A_685 {strides = array<i32>} : memref<2048x8x256xf32, #tpu.memory_space<vmem>>, vector<1x8x256xf32>,
      %get3A_686 = arith.constant 0 : index
      %get3A_687 = arith.constant 2 : index
      %get3A_688 = arith.index_cast %add3A_648 : i32 to index
      %get3A_689 = memref.load %arg8[%get3A_686, %get3A_687, %get3A_688] : memref<1x3x1024xi32, #tpu.memory_space<smem>>
      %get3A_690 = arith.index_cast %get3A_689 : i32 to index
      %get3A_691 = arith.constant 0 : index
      %get3A_692 = arith.constant 0 : index
      %get3A_693 = vector.load %arg9[%get3A_690, %get3A_691, %get3A_692] : memref<2048x8x256xf32, #tpu.memory_space<vmem>>, vector<1x8x256xf32>
      %get3A_694 = vector.shape_cast %get3A_693 : vector<1x8x256xf32> to vector<8x256xf32>
      %max3A_695 = arith.maximumf %get3A_694, %get3A_653 : vector<8x256xf32>
      %swap3A_696 = arith.index_cast %get3A_689 : i32 to index
      %swap3A_697 = arith.constant 0 : index
      %swap3A_698 = arith.constant 0 : index
      %swap3A_699 = vector.load %arg9[%swap3A_696, %swap3A_697, %swap3A_698] : memref<2048x8x256xf32, #tpu.memory_space<vmem>>, vector<1x8x256xf32>
      %swap3A_700 = vector.shape_cast %swap3A_699 : vector<1x8x256xf32> to vector<8x256xf32>
      %swap3A_701 = vector.shape_cast %max3A_695 : vector<8x256xf32> to vector<1x8x256xf32>
      tpu.vector_store %arg9[%swap3A_696, %swap3A_697, %swap3A_698], %swap3A_701 {strides = array<i32>} : memref<2048x8x256xf32, #tpu.memory_space<vmem>>, vector<1x8x256xf32>,
      %mul3A_702 = arith.constant 16 : i32
      %mul3A_703 = arith.muli %scan3A_75, %mul3A_702 : i32
      %add3A_704 = arith.constant 11 : i32
      %add3A_705 = arith.addi %mul3A_703, %add3A_704 : i32
      %get3A_706 = arith.index_cast %add3A_705 : i32 to index
      %get3A_707 = arith.constant 0 : index
      %get3A_708 = arith.constant 0 : index
      %get3A_709 = vector.load %arg11[%get3A_706, %get3A_707, %get3A_708] : memref<1024x8x256xf32, #tpu.memory_space<vmem>>, vector<1x8x256xf32>
      %get3A_710 = vector.shape_cast %get3A_709 : vector<1x8x256xf32> to vector<8x256xf32>
      %get3A_711 = arith.constant 0 : index
      %get3A_712 = arith.constant 0 : index
      %get3A_713 = arith.index_cast %add3A_705 : i32 to index
      %get3A_714 = memref.load %arg8[%get3A_711, %get3A_712, %get3A_713] : memref<1x3x1024xi32, #tpu.memory_space<smem>>
      %get3A_715 = arith.index_cast %get3A_714 : i32 to index
      %get3A_716 = arith.constant 0 : index
      %get3A_717 = arith.constant 0 : index
      %get3A_718 = vector.load %arg9[%get3A_715, %get3A_716, %get3A_717] : memref<2048x8x256xf32, #tpu.memory_space<vmem>>, vector<1x8x256xf32>
      %get3A_719 = vector.shape_cast %get3A_718 : vector<1x8x256xf32> to vector<8x256xf32>
      %max3A_720 = arith.maximumf %get3A_719, %get3A_710 : vector<8x256xf32>
      %swap3A_721 = arith.index_cast %get3A_714 : i32 to index
      %swap3A_722 = arith.constant 0 : index
      %swap3A_723 = arith.constant 0 : index
      %swap3A_724 = vector.load %arg9[%swap3A_721, %swap3A_722, %swap3A_723] : memref<2048x8x256xf32, #tpu.memory_space<vmem>>, vector<1x8x256xf32>
      %swap3A_725 = vector.shape_cast %swap3A_724 : vector<1x8x256xf32> to vector<8x256xf32>
      %swap3A_726 = vector.shape_cast %max3A_720 : vector<8x256xf32> to vector<1x8x256xf32>
      tpu.vector_store %arg9[%swap3A_721, %swap3A_722, %swap3A_723], %swap3A_726 {strides = array<i32>} : memref<2048x8x256xf32, #tpu.memory_space<vmem>>, vector<1x8x256xf32>,
      %get3A_727 = arith.constant 0 : index
      %get3A_728 = arith.constant 1 : index
      %get3A_729 = arith.index_cast %add3A_705 : i32 to index
      %get3A_730 = memref.load %arg8[%get3A_727, %get3A_728, %get3A_729] : memref<1x3x1024xi32, #tpu.memory_space<smem>>
      %get3A_731 = arith.index_cast %get3A_730 : i32 to index
      %get3A_732 = arith.constant 0 : index
      %get3A_733 = arith.constant 0 : index
      %get3A_734 = vector.load %arg9[%get3A_731, %get3A_732, %get3A_733] : memref<2048x8x256xf32, #tpu.memory_space<vmem>>, vector<1x8x256xf32>
      %get3A_735 = vector.shape_cast %get3A_734 : vector<1x8x256xf32> to vector<8x256xf32>
      %max3A_736 = arith.maximumf %get3A_735, %get3A_710 : vector<8x256xf32>
      %swap3A_737 = arith.index_cast %get3A_730 : i32 to index
      %swap3A_738 = arith.constant 0 : index
      %swap3A_739 = arith.constant 0 : index
      %swap3A_740 = vector.load %arg9[%swap3A_737, %swap3A_738, %swap3A_739] : memref<2048x8x256xf32, #tpu.memory_space<vmem>>, vector<1x8x256xf32>
      %swap3A_741 = vector.shape_cast %swap3A_740 : vector<1x8x256xf32> to vector<8x256xf32>
      %swap3A_742 = vector.shape_cast %max3A_736 : vector<8x256xf32> to vector<1x8x256xf32>
      tpu.vector_store %arg9[%swap3A_737, %swap3A_738, %swap3A_739], %swap3A_742 {strides = array<i32>} : memref<2048x8x256xf32, #tpu.memory_space<vmem>>, vector<1x8x256xf32>,
      %get3A_743 = arith.constant 0 : index
      %get3A_744 = arith.constant 2 : index
      %get3A_745 = arith.index_cast %add3A_705 : i32 to index
      %get3A_746 = memref.load %arg8[%get3A_743, %get3A_744, %get3A_745] : memref<1x3x1024xi32, #tpu.memory_space<smem>>
      %get3A_747 = arith.index_cast %get3A_746 : i32 to index
      %get3A_748 = arith.constant 0 : index
      %get3A_749 = arith.constant 0 : index
      %get3A_750 = vector.load %arg9[%get3A_747, %get3A_748, %get3A_749] : memref<2048x8x256xf32, #tpu.memory_space<vmem>>, vector<1x8x256xf32>
      %get3A_751 = vector.shape_cast %get3A_750 : vector<1x8x256xf32> to vector<8x256xf32>
      %max3A_752 = arith.maximumf %get3A_751, %get3A_710 : vector<8x256xf32>
      %swap3A_753 = arith.index_cast %get3A_746 : i32 to index
      %swap3A_754 = arith.constant 0 : index
      %swap3A_755 = arith.constant 0 : index
      %swap3A_756 = vector.load %arg9[%swap3A_753, %swap3A_754, %swap3A_755] : memref<2048x8x256xf32, #tpu.memory_space<vmem>>, vector<1x8x256xf32>
      %swap3A_757 = vector.shape_cast %swap3A_756 : vector<1x8x256xf32> to vector<8x256xf32>
      %swap3A_758 = vector.shape_cast %max3A_752 : vector<8x256xf32> to vector<1x8x256xf32>
      tpu.vector_store %arg9[%swap3A_753, %swap3A_754, %swap3A_755], %swap3A_758 {strides = array<i32>} : memref<2048x8x256xf32, #tpu.memory_space<vmem>>, vector<1x8x256xf32>,
      %mul3A_759 = arith.constant 16 : i32
      %mul3A_760 = arith.muli %scan3A_75, %mul3A_759 : i32
      %add3A_761 = arith.constant 12 : i32
      %add3A_762 = arith.addi %mul3A_760, %add3A_761 : i32
      %get3A_763 = arith.index_cast %add3A_762 : i32 to index
      %get3A_764 = arith.constant 0 : index
      %get3A_765 = arith.constant 0 : index
      %get3A_766 = vector.load %arg11[%get3A_763, %get3A_764, %get3A_765] : memref<1024x8x256xf32, #tpu.memory_space<vmem>>, vector<1x8x256xf32>
      %get3A_767 = vector.shape_cast %get3A_766 : vector<1x8x256xf32> to vector<8x256xf32>
      %get3A_768 = arith.constant 0 : index
      %get3A_769 = arith.constant 0 : index
      %get3A_770 = arith.index_cast %add3A_762 : i32 to index
      %get3A_771 = memref.load %arg8[%get3A_768, %get3A_769, %get3A_770] : memref<1x3x1024xi32, #tpu.memory_space<smem>>
      %get3A_772 = arith.index_cast %get3A_771 : i32 to index
      %get3A_773 = arith.constant 0 : index
      %get3A_774 = arith.constant 0 : index
      %get3A_775 = vector.load %arg9[%get3A_772, %get3A_773, %get3A_774] : memref<2048x8x256xf32, #tpu.memory_space<vmem>>, vector<1x8x256xf32>
      %get3A_776 = vector.shape_cast %get3A_775 : vector<1x8x256xf32> to vector<8x256xf32>
      %max3A_777 = arith.maximumf %get3A_776, %get3A_767 : vector<8x256xf32>
      %swap3A_778 = arith.index_cast %get3A_771 : i32 to index
      %swap3A_779 = arith.constant 0 : index
      %swap3A_780 = arith.constant 0 : index
      %swap3A_781 = vector.load %arg9[%swap3A_778, %swap3A_779, %swap3A_780] : memref<2048x8x256xf32, #tpu.memory_space<vmem>>, vector<1x8x256xf32>
      %swap3A_782 = vector.shape_cast %swap3A_781 : vector<1x8x256xf32> to vector<8x256xf32>
      %swap3A_783 = vector.shape_cast %max3A_777 : vector<8x256xf32> to vector<1x8x256xf32>
      tpu.vector_store %arg9[%swap3A_778, %swap3A_779, %swap3A_780], %swap3A_783 {strides = array<i32>} : memref<2048x8x256xf32, #tpu.memory_space<vmem>>, vector<1x8x256xf32>,
      %get3A_784 = arith.constant 0 : index
      %get3A_785 = arith.constant 1 : index
      %get3A_786 = arith.index_cast %add3A_762 : i32 to index
      %get3A_787 = memref.load %arg8[%get3A_784, %get3A_785, %get3A_786] : memref<1x3x1024xi32, #tpu.memory_space<smem>>
      %get3A_788 = arith.index_cast %get3A_787 : i32 to index
      %get3A_789 = arith.constant 0 : index
      %get3A_790 = arith.constant 0 : index
      %get3A_791 = vector.load %arg9[%get3A_788, %get3A_789, %get3A_790] : memref<2048x8x256xf32, #tpu.memory_space<vmem>>, vector<1x8x256xf32>
      %get3A_792 = vector.shape_cast %get3A_791 : vector<1x8x256xf32> to vector<8x256xf32>
      %max3A_793 = arith.maximumf %get3A_792, %get3A_767 : vector<8x256xf32>
      %swap3A_794 = arith.index_cast %get3A_787 : i32 to index
      %swap3A_795 = arith.constant 0 : index
      %swap3A_796 = arith.constant 0 : index
      %swap3A_797 = vector.load %arg9[%swap3A_794, %swap3A_795, %swap3A_796] : memref<2048x8x256xf32, #tpu.memory_space<vmem>>, vector<1x8x256xf32>
      %swap3A_798 = vector.shape_cast %swap3A_797 : vector<1x8x256xf32> to vector<8x256xf32>
      %swap3A_799 = vector.shape_cast %max3A_793 : vector<8x256xf32> to vector<1x8x256xf32>
      tpu.vector_store %arg9[%swap3A_794, %swap3A_795, %swap3A_796], %swap3A_799 {strides = array<i32>} : memref<2048x8x256xf32, #tpu.memory_space<vmem>>, vector<1x8x256xf32>,
      %get3A_800 = arith.constant 0 : index
      %get3A_801 = arith.constant 2 : index
      %get3A_802 = arith.index_cast %add3A_762 : i32 to index
      %get3A_803 = memref.load %arg8[%get3A_800, %get3A_801, %get3A_802] : memref<1x3x1024xi32, #tpu.memory_space<smem>>
      %get3A_804 = arith.index_cast %get3A_803 : i32 to index
      %get3A_805 = arith.constant 0 : index
      %get3A_806 = arith.constant 0 : index
      %get3A_807 = vector.load %arg9[%get3A_804, %get3A_805, %get3A_806] : memref<2048x8x256xf32, #tpu.memory_space<vmem>>, vector<1x8x256xf32>
      %get3A_808 = vector.shape_cast %get3A_807 : vector<1x8x256xf32> to vector<8x256xf32>
      %max3A_809 = arith.maximumf %get3A_808, %get3A_767 : vector<8x256xf32>
      %swap3A_810 = arith.index_cast %get3A_803 : i32 to index
      %swap3A_811 = arith.constant 0 : index
      %swap3A_812 = arith.constant 0 : index
      %swap3A_813 = vector.load %arg9[%swap3A_810, %swap3A_811, %swap3A_812] : memref<2048x8x256xf32, #tpu.memory_space<vmem>>, vector<1x8x256xf32>
      %swap3A_814 = vector.shape_cast %swap3A_813 : vector<1x8x256xf32> to vector<8x256xf32>
      %swap3A_815 = vector.shape_cast %max3A_809 : vector<8x256xf32> to vector<1x8x256xf32>
      tpu.vector_store %arg9[%swap3A_810, %swap3A_811, %swap3A_812], %swap3A_815 {strides = array<i32>} : memref<2048x8x256xf32, #tpu.memory_space<vmem>>, vector<1x8x256xf32>,
      %mul3A_816 = arith.constant 16 : i32
      %mul3A_817 = arith.muli %scan3A_75, %mul3A_816 : i32
      %add3A_818 = arith.constant 13 : i32
      %add3A_819 = arith.addi %mul3A_817, %add3A_818 : i32
      %get3A_820 = arith.index_cast %add3A_819 : i32 to index
      %get3A_821 = arith.constant 0 : index
      %get3A_822 = arith.constant 0 : index
      %get3A_823 = vector.load %arg11[%get3A_820, %get3A_821, %get3A_822] : memref<1024x8x256xf32, #tpu.memory_space<vmem>>, vector<1x8x256xf32>
      %get3A_824 = vector.shape_cast %get3A_823 : vector<1x8x256xf32> to vector<8x256xf32>
      %get3A_825 = arith.constant 0 : index
      %get3A_826 = arith.constant 0 : index
      %get3A_827 = arith.index_cast %add3A_819 : i32 to index
      %get3A_828 = memref.load %arg8[%get3A_825, %get3A_826, %get3A_827] : memref<1x3x1024xi32, #tpu.memory_space<smem>>
      %get3A_829 = arith.index_cast %get3A_828 : i32 to index
      %get3A_830 = arith.constant 0 : index
      %get3A_831 = arith.constant 0 : index
      %get3A_832 = vector.load %arg9[%get3A_829, %get3A_830, %get3A_831] : memref<2048x8x256xf32, #tpu.memory_space<vmem>>, vector<1x8x256xf32>
      %get3A_833 = vector.shape_cast %get3A_832 : vector<1x8x256xf32> to vector<8x256xf32>
      %max3A_834 = arith.maximumf %get3A_833, %get3A_824 : vector<8x256xf32>
      %swap3A_835 = arith.index_cast %get3A_828 : i32 to index
      %swap3A_836 = arith.constant 0 : index
      %swap3A_837 = arith.constant 0 : index
      %swap3A_838 = vector.load %arg9[%swap3A_835, %swap3A_836, %swap3A_837] : memref<2048x8x256xf32, #tpu.memory_space<vmem>>, vector<1x8x256xf32>
      %swap3A_839 = vector.shape_cast %swap3A_838 : vector<1x8x256xf32> to vector<8x256xf32>
      %swap3A_840 = vector.shape_cast %max3A_834 : vector<8x256xf32> to vector<1x8x256xf32>
      tpu.vector_store %arg9[%swap3A_835, %swap3A_836, %swap3A_837], %swap3A_840 {strides = array<i32>} : memref<2048x8x256xf32, #tpu.memory_space<vmem>>, vector<1x8x256xf32>,
      %get3A_841 = arith.constant 0 : index
      %get3A_842 = arith.constant 1 : index
      %get3A_843 = arith.index_cast %add3A_819 : i32 to index
      %get3A_844 = memref.load %arg8[%get3A_841, %get3A_842, %get3A_843] : memref<1x3x1024xi32, #tpu.memory_space<smem>>
      %get3A_845 = arith.index_cast %get3A_844 : i32 to index
      %get3A_846 = arith.constant 0 : index
      %get3A_847 = arith.constant 0 : index
      %get3A_848 = vector.load %arg9[%get3A_845, %get3A_846, %get3A_847] : memref<2048x8x256xf32, #tpu.memory_space<vmem>>, vector<1x8x256xf32>
      %get3A_849 = vector.shape_cast %get3A_848 : vector<1x8x256xf32> to vector<8x256xf32>
      %max3A_850 = arith.maximumf %get3A_849, %get3A_824 : vector<8x256xf32>
      %swap3A_851 = arith.index_cast %get3A_844 : i32 to index
      %swap3A_852 = arith.constant 0 : index
      %swap3A_853 = arith.constant 0 : index
      %swap3A_854 = vector.load %arg9[%swap3A_851, %swap3A_852, %swap3A_853] : memref<2048x8x256xf32, #tpu.memory_space<vmem>>, vector<1x8x256xf32>
      %swap3A_855 = vector.shape_cast %swap3A_854 : vector<1x8x256xf32> to vector<8x256xf32>
      %swap3A_856 = vector.shape_cast %max3A_850 : vector<8x256xf32> to vector<1x8x256xf32>
      tpu.vector_store %arg9[%swap3A_851, %swap3A_852, %swap3A_853], %swap3A_856 {strides = array<i32>} : memref<2048x8x256xf32, #tpu.memory_space<vmem>>, vector<1x8x256xf32>,
      %get3A_857 = arith.constant 0 : index
      %get3A_858 = arith.constant 2 : index
      %get3A_859 = arith.index_cast %add3A_819 : i32 to index
      %get3A_860 = memref.load %arg8[%get3A_857, %get3A_858, %get3A_859] : memref<1x3x1024xi32, #tpu.memory_space<smem>>
      %get3A_861 = arith.index_cast %get3A_860 : i32 to index
      %get3A_862 = arith.constant 0 : index
      %get3A_863 = arith.constant 0 : index
      %get3A_864 = vector.load %arg9[%get3A_861, %get3A_862, %get3A_863] : memref<2048x8x256xf32, #tpu.memory_space<vmem>>, vector<1x8x256xf32>
      %get3A_865 = vector.shape_cast %get3A_864 : vector<1x8x256xf32> to vector<8x256xf32>
      %max3A_866 = arith.maximumf %get3A_865, %get3A_824 : vector<8x256xf32>
      %swap3A_867 = arith.index_cast %get3A_860 : i32 to index
      %swap3A_868 = arith.constant 0 : index
      %swap3A_869 = arith.constant 0 : index
      %swap3A_870 = vector.load %arg9[%swap3A_867, %swap3A_868, %swap3A_869] : memref<2048x8x256xf32, #tpu.memory_space<vmem>>, vector<1x8x256xf32>
      %swap3A_871 = vector.shape_cast %swap3A_870 : vector<1x8x256xf32> to vector<8x256xf32>
      %swap3A_872 = vector.shape_cast %max3A_866 : vector<8x256xf32> to vector<1x8x256xf32>
      tpu.vector_store %arg9[%swap3A_867, %swap3A_868, %swap3A_869], %swap3A_872 {strides = array<i32>} : memref<2048x8x256xf32, #tpu.memory_space<vmem>>, vector<1x8x256xf32>,
      %mul3A_873 = arith.constant 16 : i32
      %mul3A_874 = arith.muli %scan3A_75, %mul3A_873 : i32
      %add3A_875 = arith.constant 14 : i32
      %add3A_876 = arith.addi %mul3A_874, %add3A_875 : i32
      %get3A_877 = arith.index_cast %add3A_876 : i32 to index
      %get3A_878 = arith.constant 0 : index
      %get3A_879 = arith.constant 0 : index
      %get3A_880 = vector.load %arg11[%get3A_877, %get3A_878, %get3A_879] : memref<1024x8x256xf32, #tpu.memory_space<vmem>>, vector<1x8x256xf32>
      %get3A_881 = vector.shape_cast %get3A_880 : vector<1x8x256xf32> to vector<8x256xf32>
      %get3A_882 = arith.constant 0 : index
      %get3A_883 = arith.constant 0 : index
      %get3A_884 = arith.index_cast %add3A_876 : i32 to index
      %get3A_885 = memref.load %arg8[%get3A_882, %get3A_883, %get3A_884] : memref<1x3x1024xi32, #tpu.memory_space<smem>>
      %get3A_886 = arith.index_cast %get3A_885 : i32 to index
      %get3A_887 = arith.constant 0 : index
      %get3A_888 = arith.constant 0 : index
      %get3A_889 = vector.load %arg9[%get3A_886, %get3A_887, %get3A_888] : memref<2048x8x256xf32, #tpu.memory_space<vmem>>, vector<1x8x256xf32>
      %get3A_890 = vector.shape_cast %get3A_889 : vector<1x8x256xf32> to vector<8x256xf32>
      %max3A_891 = arith.maximumf %get3A_890, %get3A_881 : vector<8x256xf32>
      %swap3A_892 = arith.index_cast %get3A_885 : i32 to index
      %swap3A_893 = arith.constant 0 : index
      %swap3A_894 = arith.constant 0 : index
      %swap3A_895 = vector.load %arg9[%swap3A_892, %swap3A_893, %swap3A_894] : memref<2048x8x256xf32, #tpu.memory_space<vmem>>, vector<1x8x256xf32>
      %swap3A_896 = vector.shape_cast %swap3A_895 : vector<1x8x256xf32> to vector<8x256xf32>
      %swap3A_897 = vector.shape_cast %max3A_891 : vector<8x256xf32> to vector<1x8x256xf32>
      tpu.vector_store %arg9[%swap3A_892, %swap3A_893, %swap3A_894], %swap3A_897 {strides = array<i32>} : memref<2048x8x256xf32, #tpu.memory_space<vmem>>, vector<1x8x256xf32>,
      %get3A_898 = arith.constant 0 : index
      %get3A_899 = arith.constant 1 : index
      %get3A_900 = arith.index_cast %add3A_876 : i32 to index
      %get3A_901 = memref.load %arg8[%get3A_898, %get3A_899, %get3A_900] : memref<1x3x1024xi32, #tpu.memory_space<smem>>
      %get3A_902 = arith.index_cast %get3A_901 : i32 to index
      %get3A_903 = arith.constant 0 : index
      %get3A_904 = arith.constant 0 : index
      %get3A_905 = vector.load %arg9[%get3A_902, %get3A_903, %get3A_904] : memref<2048x8x256xf32, #tpu.memory_space<vmem>>, vector<1x8x256xf32>
      %get3A_906 = vector.shape_cast %get3A_905 : vector<1x8x256xf32> to vector<8x256xf32>
      %max3A_907 = arith.maximumf %get3A_906, %get3A_881 : vector<8x256xf32>
      %swap3A_908 = arith.index_cast %get3A_901 : i32 to index
      %swap3A_909 = arith.constant 0 : index
      %swap3A_910 = arith.constant 0 : index
      %swap3A_911 = vector.load %arg9[%swap3A_908, %swap3A_909, %swap3A_910] : memref<2048x8x256xf32, #tpu.memory_space<vmem>>, vector<1x8x256xf32>
      %swap3A_912 = vector.shape_cast %swap3A_911 : vector<1x8x256xf32> to vector<8x256xf32>
      %swap3A_913 = vector.shape_cast %max3A_907 : vector<8x256xf32> to vector<1x8x256xf32>
      tpu.vector_store %arg9[%swap3A_908, %swap3A_909, %swap3A_910], %swap3A_913 {strides = array<i32>} : memref<2048x8x256xf32, #tpu.memory_space<vmem>>, vector<1x8x256xf32>,
      %get3A_914 = arith.constant 0 : index
      %get3A_915 = arith.constant 2 : index
      %get3A_916 = arith.index_cast %add3A_876 : i32 to index
      %get3A_917 = memref.load %arg8[%get3A_914, %get3A_915, %get3A_916] : memref<1x3x1024xi32, #tpu.memory_space<smem>>
      %get3A_918 = arith.index_cast %get3A_917 : i32 to index
      %get3A_919 = arith.constant 0 : index
      %get3A_920 = arith.constant 0 : index
      %get3A_921 = vector.load %arg9[%get3A_918, %get3A_919, %get3A_920] : memref<2048x8x256xf32, #tpu.memory_space<vmem>>, vector<1x8x256xf32>
      %get3A_922 = vector.shape_cast %get3A_921 : vector<1x8x256xf32> to vector<8x256xf32>
      %max3A_923 = arith.maximumf %get3A_922, %get3A_881 : vector<8x256xf32>
      %swap3A_924 = arith.index_cast %get3A_917 : i32 to index
      %swap3A_925 = arith.constant 0 : index
      %swap3A_926 = arith.constant 0 : index
      %swap3A_927 = vector.load %arg9[%swap3A_924, %swap3A_925, %swap3A_926] : memref<2048x8x256xf32, #tpu.memory_space<vmem>>, vector<1x8x256xf32>
      %swap3A_928 = vector.shape_cast %swap3A_927 : vector<1x8x256xf32> to vector<8x256xf32>
      %swap3A_929 = vector.shape_cast %max3A_923 : vector<8x256xf32> to vector<1x8x256xf32>
      tpu.vector_store %arg9[%swap3A_924, %swap3A_925, %swap3A_926], %swap3A_929 {strides = array<i32>} : memref<2048x8x256xf32, #tpu.memory_space<vmem>>, vector<1x8x256xf32>,
      %mul3A_930 = arith.constant 16 : i32
      %mul3A_931 = arith.muli %scan3A_75, %mul3A_930 : i32
      %add3A_932 = arith.constant 15 : i32
      %add3A_933 = arith.addi %mul3A_931, %add3A_932 : i32
      %get3A_934 = arith.index_cast %add3A_933 : i32 to index
      %get3A_935 = arith.constant 0 : index
      %get3A_936 = arith.constant 0 : index
      %get3A_937 = vector.load %arg11[%get3A_934, %get3A_935, %get3A_936] : memref<1024x8x256xf32, #tpu.memory_space<vmem>>, vector<1x8x256xf32>
      %get3A_938 = vector.shape_cast %get3A_937 : vector<1x8x256xf32> to vector<8x256xf32>
      %get3A_939 = arith.constant 0 : index
      %get3A_940 = arith.constant 0 : index
      %get3A_941 = arith.index_cast %add3A_933 : i32 to index
      %get3A_942 = memref.load %arg8[%get3A_939, %get3A_940, %get3A_941] : memref<1x3x1024xi32, #tpu.memory_space<smem>>
      %get3A_943 = arith.index_cast %get3A_942 : i32 to index
      %get3A_944 = arith.constant 0 : index
      %get3A_945 = arith.constant 0 : index
      %get3A_946 = vector.load %arg9[%get3A_943, %get3A_944, %get3A_945] : memref<2048x8x256xf32, #tpu.memory_space<vmem>>, vector<1x8x256xf32>
      %get3A_947 = vector.shape_cast %get3A_946 : vector<1x8x256xf32> to vector<8x256xf32>
      %max3A_948 = arith.maximumf %get3A_947, %get3A_938 : vector<8x256xf32>
      %swap3A_949 = arith.index_cast %get3A_942 : i32 to index
      %swap3A_950 = arith.constant 0 : index
      %swap3A_951 = arith.constant 0 : index
      %swap3A_952 = vector.load %arg9[%swap3A_949, %swap3A_950, %swap3A_951] : memref<2048x8x256xf32, #tpu.memory_space<vmem>>, vector<1x8x256xf32>
      %swap3A_953 = vector.shape_cast %swap3A_952 : vector<1x8x256xf32> to vector<8x256xf32>
      %swap3A_954 = vector.shape_cast %max3A_948 : vector<8x256xf32> to vector<1x8x256xf32>
      tpu.vector_store %arg9[%swap3A_949, %swap3A_950, %swap3A_951], %swap3A_954 {strides = array<i32>} : memref<2048x8x256xf32, #tpu.memory_space<vmem>>, vector<1x8x256xf32>,
      %get3A_955 = arith.constant 0 : index
      %get3A_956 = arith.constant 1 : index
      %get3A_957 = arith.index_cast %add3A_933 : i32 to index
      %get3A_958 = memref.load %arg8[%get3A_955, %get3A_956, %get3A_957] : memref<1x3x1024xi32, #tpu.memory_space<smem>>
      %get3A_959 = arith.index_cast %get3A_958 : i32 to index
      %get3A_960 = arith.constant 0 : index
      %get3A_961 = arith.constant 0 : index
      %get3A_962 = vector.load %arg9[%get3A_959, %get3A_960, %get3A_961] : memref<2048x8x256xf32, #tpu.memory_space<vmem>>, vector<1x8x256xf32>
      %get3A_963 = vector.shape_cast %get3A_962 : vector<1x8x256xf32> to vector<8x256xf32>
      %max3A_964 = arith.maximumf %get3A_963, %get3A_938 : vector<8x256xf32>
      %swap3A_965 = arith.index_cast %get3A_958 : i32 to index
      %swap3A_966 = arith.constant 0 : index
      %swap3A_967 = arith.constant 0 : index
      %swap3A_968 = vector.load %arg9[%swap3A_965, %swap3A_966, %swap3A_967] : memref<2048x8x256xf32, #tpu.memory_space<vmem>>, vector<1x8x256xf32>
      %swap3A_969 = vector.shape_cast %swap3A_968 : vector<1x8x256xf32> to vector<8x256xf32>
      %swap3A_970 = vector.shape_cast %max3A_964 : vector<8x256xf32> to vector<1x8x256xf32>
      tpu.vector_store %arg9[%swap3A_965, %swap3A_966, %swap3A_967], %swap3A_970 {strides = array<i32>} : memref<2048x8x256xf32, #tpu.memory_space<vmem>>, vector<1x8x256xf32>,
      %get3A_971 = arith.constant 0 : index
      %get3A_972 = arith.constant 2 : index
      %get3A_973 = arith.index_cast %add3A_933 : i32 to index
      %get3A_974 = memref.load %arg8[%get3A_971, %get3A_972, %get3A_973] : memref<1x3x1024xi32, #tpu.memory_space<smem>>
      %get3A_975 = arith.index_cast %get3A_974 : i32 to index
      %get3A_976 = arith.constant 0 : index
      %get3A_977 = arith.constant 0 : index
      %get3A_978 = vector.load %arg9[%get3A_975, %get3A_976, %get3A_977] : memref<2048x8x256xf32, #tpu.memory_space<vmem>>, vector<1x8x256xf32>
      %get3A_979 = vector.shape_cast %get3A_978 : vector<1x8x256xf32> to vector<8x256xf32>
      %max3A_980 = arith.maximumf %get3A_979, %get3A_938 : vector<8x256xf32>
      %swap3A_981 = arith.index_cast %get3A_974 : i32 to index
      %swap3A_982 = arith.constant 0 : index
      %swap3A_983 = arith.constant 0 : index
      %swap3A_984 = vector.load %arg9[%swap3A_981, %swap3A_982, %swap3A_983] : memref<2048x8x256xf32, #tpu.memory_space<vmem>>, vector<1x8x256xf32>
      %swap3A_985 = vector.shape_cast %swap3A_984 : vector<1x8x256xf32> to vector<8x256xf32>
      %swap3A_986 = vector.shape_cast %max3A_980 : vector<8x256xf32> to vector<1x8x256xf32>
      tpu.vector_store %arg9[%swap3A_981, %swap3A_982, %swap3A_983], %swap3A_986 {strides = array<i32>} : memref<2048x8x256xf32, #tpu.memory_space<vmem>>, vector<1x8x256xf32>,
    }
    %scan3A_74 = arith.constant 64 : i32
    return
  }
  func.func @transform_0(%arg0: i32, %arg1: i32) -> (i32, i32, i32) {
    %c0_i32 = arith.constant 0 : i32
    %c0_i32_0 = arith.constant 0 : i32
    %c0_i32_1 = arith.constant 0 : i32
    %c0_i32_2 = arith.constant 0 : i32
    return %c0_i32, %c0_i32_0, %c0_i32_1 : i32, i32, i32
  }
  func.func @transform_1(%arg0: i32, %arg1: i32) -> (i32, i32, i32) {
    %c0_i32 = arith.constant 0 : i32
    %c0_i32_0 = arith.constant 0 : i32
    %c0_i32_1 = arith.constant 0 : i32
    %c0_i32_2 = arith.constant 0 : i32
    return %c0_i32, %c0_i32_0, %c0_i32_1 : i32, i32, i32
  }
  func.func @transform_2(%arg0: i32, %arg1: i32) -> (i32, i32) {
    %c0_i32 = arith.constant 0 : i32
    %c0_i32_0 = arith.constant 0 : i32
    %c0_i32_1 = arith.constant 0 : i32
    return %c0_i32, %c0_i32_0 : i32, i32
  }
  func.func @transform_3(%arg0: i32, %arg1: i32) -> (i32, i32) {
    %c0_i32 = arith.constant 0 : i32
    %c0_i32_0 = arith.constant 0 : i32
    %c0_i32_1 = arith.constant 0 : i32
    return %c0_i32, %c0_i32_0 : i32, i32
  }
  func.func @transform_4(%arg0: i32, %arg1: i32) -> (i32, i32) {
    %c0_i32 = arith.constant 0 : i32
    %c0_i32_0 = arith.constant 0 : i32
    %c0_i32_1 = arith.constant 0 : i32
    return %c0_i32, %c0_i32_0 : i32, i32
  }
  func.func @transform_5(%arg0: i32, %arg1: i32) -> (i32, i32, i32) {
    %c0_i32 = arith.constant 0 : i32
    %c0_i32_0 = arith.constant 0 : i32
    return %arg0, %c0_i32, %arg1 : i32, i32, i32
  }
  func.func @transform_6(%arg0: i32, %arg1: i32) -> (i32, i32, i32) {
    %c0_i32 = arith.constant 0 : i32
    %c0_i32_0 = arith.constant 0 : i32
    return %arg0, %c0_i32, %arg1 : i32, i32, i32
  }
  func.func @transform_7(%arg0: i32, %arg1: i32) -> (i32, i32, i32) {
    %c0_i32 = arith.constant 0 : i32
    %c0_i32_0 = arith.constant 0 : i32
    %c0_i32_1 = arith.constant 0 : i32
    %c0_i32_2 = arith.constant 0 : i32
    return %c0_i32, %c0_i32_0, %c0_i32_1 : i32, i32, i32
  }
}

</mosaic_0001>

<sc_bundles>
// kernel: kernel.4.cloned.1.call-start
scs
__scs_entry_jumppad:
0x0: {  	(pc) =	sbr.rel $0x88, $3  }
0x1: {  	(tag) =	ssettag $0x0;
	lr =	simm.s32 $0x1  }
0x2: {  	[smem:$0x3F98] =	sst lr;
	_ =	strace $0xD0000000  }
0x3: {  	_ = 	snop  }
0x4: {  	_ = 	snop  }
0x5: {  	_ = 	snop  }
0x6: {  	_ = 	snop  }
0x7: {  	_ = 	snop  }
__scs_overlays_trampoline_lowered:
0x8: {  	[smem:$0x3FA7] =	sst s0  }
0x9: {  	[smem:$0x3FA8] =	sst s1  }
0xa: {  	[smem:$0x3FA9] =	sst s2  }
0xb: {  	[smem:$0x3FAA] =	sst s3  }
0xc: {  	[smem:$0x3FAB] =	sst s4  }
0xd: {  	[smem:$0x3FAC] =	sst s5  }
0xe: {  	[smem:$0x3FAD] =	sst s6  }
0xf: {  	[smem:$0x3FAE] =	sst s7  }
0x10: {  	[smem:$0x3FAF] =	sst s8  }
0x11: {  	[smem:$0x3FB0] =	sst s9;
	s0 =	simm.s32 @!p0 $0x0  }
0x12: {  	s1 =	sld [smem:$0x3F96];
	s0 =	simm.s32 @p0 $0x1  }
0x13: {  	[smem:$0x3FB1] =	sst s0;
	s0 =	simm.s32 @!p1 $0x0  }
0x14: {  	s2 =	sld [smem:$0x3F95];
	s0 =	simm.s32 @p1 $0x1  }
0x15: {  	[smem:$0x3FB2] =	sst s0;
	s0 =	simm.s32 @!p2 $0x0  }
0x16: {  	s3 =	sld [smem:$0x3FDB];
	s0 =	simm.s32 @p2 $0x1  }
0x17: {  	s4 =	simm.s32 $0x1BF5;
	[smem:$0x3FB4] =	sst s0  }
0x18: {  	s0 =	sld [smem:$0x3F97];
	_ =	swait.ge [sflag:s4], $0x0  }
0x19: {  	s7 =	sld [smem:$0x3F98]  }
0x1a: {  	s8 =	sadd.s32 $0xFFFFE003, lr  }
0x1b: {  	s9 =	sadd.s32 $0xFFFFFEF7, lr;
	s5 =	simm.s32 $0xFFFFFFFF;
	p2 =	slt.u32 s8, $0xFFFFF086  }
0x1c: {  	p1 =	slt.u32 s9, $0xF7A;
	s5 =	simm.s32 @!p2 $0x0  }
0x1d: {  	s5 =	simm.s32 @p1 $0x1;
	p0 =	seq.s32 s7, s2  }
0x1e: {  	s7 =	smul.u32 @!p0 $0xF7A, s2;
	p2 =	seq.s32 @!p0 s5, $0x0  }
0x1f: {  	s9 =	smul.u32 $0xF7A, s1;
	s8 =	simm.s32 @!p0 $0x1BF5;
	p2 =	por !p2, p0  }
0x20: {  	[sflag:s8] =	ssyncset.s32 @!p0 $0xFFFFF086;
	s6 =	sadd.s32 @!p0 s3, s7;
	s7 =	simm.s32 @!p0 $0x108  }
0x21: {  	s3 =	sadd.s32 s3, s9;
	s6 =	sadd.s32 @!p0 $0x88, s6;
	s7 =	simm.s32 @p2 $0x1082  }
0x22: {  	[simem:s7], [sflag:s8] =	dma.local @!p0 [hbm:s6], $0xF7A  }
0x23: {  	s9 =	sor.u32 $0xD0000000, s2;
	s6 =	simm.s32 $0x108;
	_ =	swait.ge @!p0 [sflag:s8], $0x0  }
0x24: {  	s3 =	sadd.s32 $0x88, s3;
	s6 =	simm.s32 @!p1 $0x1082;
	[sflag:s4] =	ssyncset.s32 $0xFFFFF086  }
0x25: {  	[simem:s6], [sflag:s4] =	dma.local [hbm:s3], $0xF7A  }
0x26: {  	[smem:$0x3F98] =	sst s1;
	(tag) =	ssettag s2;
	_ =	strace s9  }
0x27: {  	s1 =	sld [smem:$0x3FA8]  }
0x28: {  	s2 =	sld [smem:$0x3FA9]  }
0x29: {  	s4 =	sld [smem:$0x3FAB]  }
0x2a: {  	p0 =	seq.s32 s5, $0x0;
	s5 =	sld [smem:$0x3FAC]  }
0x2b: {  	s6 =	sld [smem:$0x3FAD]  }
0x2c: {  	s7 =	sld [smem:$0x3FAE]  }
0x2d: {  	s3 =	simm.s32 $0x108;
	s8 =	sld [smem:$0x3FAF]  }
0x2e: {  	s3 =	simm.s32 @!p0 $0x1082;
	s9 =	sld [smem:$0x3FB0]  }
0x2f: {  	lr =	sadd.s32 s0, s3;
	s0 =	sld [smem:$0x3FA7]  }
0x30: {  	s3 =	sld [smem:$0x3FAA]  }
0x31: {  	[smem:$0x3FB3] =	sst s10  }
0x32: {  	s10 =	sld [smem:$0x3FB1];
	_ =	sdelay $0x3  }
0x33: {  	p0 =	seq.s32 s10, $0x1;
	s10 =	sld [smem:$0x3FB3];
	_ =	sdelay $0x3  }
0x34: {  	[smem:$0x3FB3] =	sst s10  }
0x35: {  	s10 =	sld [smem:$0x3FB2];
	_ =	sdelay $0x3  }
0x36: {  	p1 =	seq.s32 s10, $0x1;
	s10 =	sld [smem:$0x3FB3];
	_ =	sdelay $0x3  }
0x37: {  	[smem:$0x3FB3] =	sst s10  }
0x38: {  	s10 =	sld [smem:$0x3FB4]  }
0x39: {  	_ = 	snop;
	(pc) =	sbr.ind lr, $3  }
0x3a: {  	_ = 	snop  }
0x3b: {  	_ = 	snop  }
0x3c: {  	p2 =	seq.s32 s10, $0x1;
	s10 =	sld [smem:$0x3FB3]  }
0x3d: {  	_ =	shalt  }
0x3e: {  	_ =	shalt  }
0x3f: {  	_ =	shalt  }
0x40: {  	_ =	shalt  }
0x41: {  	_ =	shalt  }
0x42: {  	_ =	shalt  }
0x43: {  	_ =	shalt  }
0x44: {  	_ =	shalt  }
0x45: {  	_ =	shalt  }
0x46: {  	_ =	shalt  }
0x47: {  	_ =	shalt  }
0x48: {  	_ =	shalt  }
0x49: {  	_ =	shalt  }
0x4a: {  	_ =	shalt  }
0x4b: {  	_ =	shalt  }
0x4c: {  	_ =	shalt  }
0x4d: {  	_ =	shalt  }
0x4e: {  	_ =	shalt  }
0x4f: {  	_ =	shalt  }
0x50: {  	_ =	shalt  }
0x51: {  	_ =	shalt  }
0x52: {  	_ =	shalt  }
0x53: {  	_ =	shalt  }
0x54: {  	_ =	shalt  }
0x55: {  	_ =	shalt  }
0x56: {  	_ =	shalt  }
0x57: {  	_ =	shalt  }
0x58: {  	_ =	shalt  }
0x59: {  	_ =	shalt  }
0x5a: {  	_ =	shalt  }
0x5b: {  	_ =	shalt  }
0x5c: {  	_ =	shalt  }
0x5d: {  	_ =	shalt  }
0x5e: {  	_ =	shalt  }
0x5f: {  	_ =	shalt  }
0x60: {  	_ =	shalt  }
0x61: {  	_ =	shalt  }
0x62: {  	_ =	shalt  }
0x63: {  	_ =	shalt  }
0x64: {  	_ =	shalt  }
0x65: {  	_ =	shalt  }
0x66: {  	_ =	shalt  }
0x67: {  	_ =	shalt  }
0x68: {  	_ =	shalt  }
0x69: {  	_ =	shalt  }
0x6a: {  	_ =	shalt  }
0x6b: {  	_ =	shalt  }
0x6c: {  	_ =	shalt  }
0x6d: {  	_ =	shalt  }
0x6e: {  	_ =	shalt  }
0x6f: {  	_ =	shalt  }
0x70: {  	_ =	shalt  }
0x71: {  	_ =	shalt  }
0x72: {  	_ =	shalt  }
0x73: {  	_ =	shalt  }
0x74: {  	_ =	shalt  }
0x75: {  	_ =	shalt  }
0x76: {  	_ =	shalt  }
0x77: {  	_ =	shalt  }
0x78: {  	_ =	shalt  }
0x79: {  	_ =	shalt  }
0x7a: {  	_ =	shalt  }
0x7b: {  	_ =	shalt  }
0x7c: {  	_ =	shalt  }
0x7d: {  	_ =	shalt  }
0x7e: {  	_ =	shalt  }
0x7f: {  	_ =	shalt  }
0x80: {  	_ =	shalt  }
0x81: {  	_ =	shalt  }
0x82: {  	_ =	shalt  }
0x83: {  	_ =	shalt  }
0x84: {  	_ =	shalt  }
0x85: {  	_ =	shalt  }
0x86: {  	_ =	shalt  }
0x87: {  	_ =	shalt  }
.Lfunc_end0:
.L_simem_size_0:
called_computation_lowered:
.L_overlay_start_0:
0x88: {  	s2 =	sld [smem:$0x3FD9]  }
0x89: {  	s3 =	sld [smem:$0x3FFE];
	_ =	sdelay $0x1  }
0x8a: {  	s1 =	srdreg.scid  }
0x8b: {  	s0 =	sand.u32 $0x1, s1  }
0x8c: {  	s17 =	sshll.u32 s0, $0xA;
	s2 =	sadd.s32 s3, s2  }
0x8d: {  	s2 =	sadd.s32 s2, s17  }
0x8e: {  	[smem:$0x3FBF] =	sst s2  }
0x8f: {  	_ = 	snop  }
0x90: {  	s2 =	sld [smem:$0x3FD0];
	(tm) =	ssettm $0x1  }
0x91: {  	s18 =	sld [smem:$0x3FFB];
	_ =	sdelay $0x3  }
0x92: {  	_ =	strace s18  }
0x93: {  	s3 =	sld [smem:$0x3FFC];
	_ =	sdelay $0x3  }
0x94: {  	_ =	strace s3  }
0x95: {  	s3 =	sld [smem:$0x3FFD];
	_ =	sdelay $0x3  }
0x96: {  	_ =	strace s3  }
0x97: {  	_ =	strace $0x8FFFFFFF  }
0x98: {  	s19 =	sld [smem:$0x3FDB];
	_ =	sdelay $0x1  }
0x99: {  	s4 =	simm.s32 $_scs_section_size  }
0x9a: {  	s5 =	simm.s32 $_size__tile_overlayer_lowered;
	s6 =	simm.s32 $_tile_overlayer_lowered  }
0x9b: {  	s22 =	simm.s32 $0x1BFF;
	s21 =	sshll.u32 s6, $0x1;
	s3 =	sadd.s32 s4, s19  }
0x9c: {  	s7 =	simm.s32 $0x0;
	s20 =	sshll.u32 s5, $0x1;
	s5 =	sadd.s32 s21, s3  }
0x9d: {  	[timem:s7], [sflag:s22] =	dma.local [hbm:s5], s20  }
0x9e: {  	_ =	swait.ge [sflag:s22], s20  }
0x9f: {  	s4 =	ssub.s32 $0x0, s20;
	[sflag:s22] =	ssyncset.done $0x0  }
0xa0: {  	[sflag:s22] =	ssyncadd.s32 s4;
	_ =	sdelay $0x1  }
0xa1: {  	s23 =	simm.s32 $0x1B8B  }
0xa2: {  	_ =	swait.ge [sflag:s23], $0x1  }
0xa3: {  	[sflag:s23] =	ssyncset.done $0x0  }
0xa4: {  	s25 =	simm.s32 $0x1B8E;
	s24 =	sld [smem:$0x3FFE];
	[sflag:s23] =	ssyncadd.s32 $0xFFFFFFFF  }
0xa5: {  	s26 =	simm.s32 $execute0_lowered;
	[smem:$0x3FD2] =	sst s25  }
0xa6: {  	s5 =	sshll.u32 s26, $0x1;
	_ =	strace $0x80000046;
	[dreg:$0x1] =	wrdreg $0xFFFFFFFF  }
0xa7: {  	s28 =	simm.s32 $_size_execute0_lowered;
	s3 =	sadd.s32 s3, s5;
	[dreg:$0x0] =	wrdreg $0x0  }
0xa8: {  	s5 =	sshll.u32 s28, $0x1;
	[dreg:$0x2] =	wrdreg s3  }
0xa9: {  	[dreg:$0x3] =	wrdreg s5  }
0xaa: {  	[dreg:$0x4] =	wrdreg $0xC0  }
0xab: {  	_ =	task [dreg:s7], $0x5FFFF  }
0xac: {  	[dreg:$0x1] =	wrdreg $0xFFFFFFFF  }
0xad: {  	[dreg:$0x0] =	wrdreg $0x60  }
0xae: {  	[dreg:$0x2] =	wrdreg s24  }
0xaf: {  	[dreg:$0x3] =	wrdreg s2  }
0xb0: {  	[dreg:$0x4] =	wrdreg $0x9  }
0xb1: {  	_ =	task.clear_ibuf [dreg:s7], $0x5FFFF;
	_ =	strace $0x90000046  }
0xb2: {  	s29 =	simm.s32 $0x9;
	_ =	strace $0x80000048  }
0xb3: {  	_ =	swait.ge [sflag:s29], $0x1  }
0xb4: {  	[sflag:s29] =	ssyncadd.s32 $0xFFFFFFFF  }
0xb5: {  	_ =	strace $0x90000048  }
0xb6: {  	_ =	sfence  }
0xb7: {  	s30 =	sld [smem:$0x0];
	_ =	sdelay $0x2  }
0xb8: {  	s31 =	sshll.u32 s1, $0xD;
	s1 =	sshrl.u32 s1, $0x2  }
0xb9: {  	s3 =	sand.u32 $0x4000, s31;
	s1 =	sadd.s32 s1, s30  }
0xba: {  	s0 =	sor.u32 s3, s0;
	s1 =	sshll.u32 s1, $0x11  }
0xbb: {  	s0 =	sor.u32 s1, s0  }
0xbc: {  	s0 =	sadd.s32 $0x8F2B, s0  }
0xbd: {  	[sflag:s0] =	ssyncadd.remote.s32 $0x1  }
0xbe: {  	_ =	sfence.sel $0xFFFF  }
0xbf: {  	[dreg:$0x0] =	wrdreg $0xFFFFFFFF;
	(pc) =	sbr.abs _section_cstart, $3  }
0xc0: {  	[dreg:$0x1] =	wrdreg $0xFFFFFFFF  }
0xc1: {  	_ =	task.clear_ibuf [dreg:s7], $0x2FFFF;
	_ =	strace $0x9FFFFFFF  }
0xc2: {  	(tm) =	ssettm $0x7FFFFFFF  }
0xc3: {  	_ =	shalt  }
tec
execute0_lowered:
.L_overlay_start_1:
0x0: {  	(tag) =	ssettag $0x1  }
0x1: {  	s1 =	stileid.u32  }
0x2: {  	p0 =	sgt.u32 s1, $0x2  }
.Ltmp0:
0x3: {  	_ = 	snop;
	(pc) =	sbr.rel @p0 .LBB2_9-.Ltmp0, $4  }
0x4: {  	s3 =	rddreg [dreg:$0x0]  }
0x5: {  	s4 =	rddreg [dreg:$0x1];
	s2 =	simm.s32 $0x0  }
0x6: {  	[smem:$0x7FF] =	sst s2  }
0x7: {  	s0 =	rddreg [dreg:$0x2];
	_ =	strace $0x80000047  }
0x8: {  	s5 =	srdreg.scid;
	s6 =	sshll.u32 s1, $0x1;
	s7 =	sadd.s32 $0xE00, s3  }
0x9: {  	s12 =	simm.s32 $0x880;
	s13 =	simm.s32 $0x400;
	s14 =	simm.s32 $0x1880  }
0xa: {  	s15 =	simm.s32 $0x1080;
	s16 =	simm.s32 $0x2880;
	s5 =	sand.u32 $0x1, s5  }
0xb: {  	s17 =	simm.s32 $0x3880;
	s6 =	sor.u32 s5, s6;
	s10 =	ssub.s32 $0x2, s5  }
0xc: {  	s8 =	sshll.u32 s6, $0x9;
	s6 =	sshll.u32 s6, $0x4;
	s31 =	sshrl.u32 s10, $0x1  }
0xd: {  	s9 =	sadd.s32 s8, s7;
	s11 =	sadd.s32 s6, s3;
	s4 =	sadd.s32 s4, s6  }
0xe: {  	s7 =	sadd.s32 s7, s8;
	s3 =	sadd.s32 $0x10, s9;
	s5 =	sadd.s32 $0x1A00, s11  }
0xf: {  	s9 =	ssub.s32 s10, s31;
	s6 =	sadd.s32 $0x2A00, s11;
	s10 =	simm.s32 $0x100  }
0x10: {  	v0 =	vimm.s32 $0xFFFFFFFF;
	v1 =	vimm.s32 $0x800;
	s11 =	simm.s32 $0x1;
	s8 =	smax.u32 s9, $0x1;
	s9 =	simm.s32 $0x80  }
.LBB2_2:
0x11: {  	s18 =	simm.s32 $0x0  }
0x12: {  	[tilespmem:s18], [sflag:$0x1] =	stream.strided.gather [hbm4b:s7+s9], $0x800, s10, s9, $0x38;
	[tilespmem:$0x4880] =	vst v63  }
0x13: {  	_ =	swait.ge [sflag:s11], $0x800  }
0x14: {  	[sflag:s11] =	ssyncset.done $0x0  }
0x15: {  	[sflag:s11] =	ssyncadd.s32 $0xFFFFF800  }
0x16: {  	[tilespmem:s12], [sflag:$0x1] =	stream.strided.gather [hbm4b:s3+s9], $0x800, s10, s9, $0x38;
	[tilespmem:$0x4880] =	vst v63  }
0x17: {  	_ =	swait.ge [sflag:s11], $0x800  }
0x18: {  	[sflag:s11] =	ssyncset.done $0x0  }
0x19: {  	[sflag:s11] =	ssyncadd.s32 $0xFFFFF800  }
0x1a: {  	[tilespmem:s14], [sflag:$0x1] =	stream.strided.gather [hbm4b:s4+s9], $0x1000, s13, s9, $0x38;
	[tilespmem:$0x4880] =	vst v63  }
0x1b: {  	_ =	swait.ge [sflag:s11], $0x1000  }
0x1c: {  	[sflag:s11] =	ssyncset.done $0x0  }
0x1d: {  	[sflag:s11] =	ssyncadd.s32 $0xFFFFF000  }
0x1e: {  	s19 =	simm.s32 $0x40;
	s20 =	simm.s32 $0x0;
	[tilespmem:$0x800] =	vst v0  }
.LBB2_3:
0x1f: {  	p0 =	sne.s32 s19, $0x1FC0;
	[tilespmem:s20+$0x1080] =	vst v1;
	s20 =	smov.u32 s19;
	s19 =	sadd.s32 $0x40, s19  }
.Ltmp1:
0x20: {  	(pc) =	sbr.rel @p0 .LBB2_3-.Ltmp1, $2  }
0x21: {  	_ =	sdelay $0x2  }
0x22: {  	s20 =	sshra.s32 s20, $0x2  }
0x23: {  	[tilespmem:s20+$0x1080] =	vst v1  }
.LBB2_5:
0x24: {  	s19 =	sshra.s32 s18, $0x2  }
0x25: {  	v2 =	vld [tilespmem:s19+$0x0]  }
0x26: {  	v3 =	vld [tilespmem:s19+$0x1]  }
0x27: {  	v4 =	vld [tilespmem:s19+$0x2]  }
0x28: {  	v5 =	vld [tilespmem:s19+$0x3]  }
0x29: {  	v6 =	vld [tilespmem:s19+$0x4]  }
0x2a: {  	v7 =	vld [tilespmem:s19+$0x5]  }
0x2b: {  	v8 =	vld [tilespmem:s19+$0x6]  }
0x2c: {  	vm0 =	veq.s32 v3, v2;
	vm1 =	veq.s32 v4, v2;
	v3 =	vld [tilespmem:s19+$0x7]  }
0x2d: {  	v57 =	vld [tilespmem:s19+$0x8];
	vm15 =	veq.s32 v5, v2;
	vm0 =	vmor vm0, vm1  }
0x2e: {  	v58 =	vld [tilespmem:s19+$0x9];
	vm4 =	veq.s32 v6, v2;
	vm0 =	vmor vm0, vm15  }
0x2f: {  	v59 =	vld [tilespmem:s19+$0xA];
	vm5 =	veq.s32 v7, v2;
	vm0 =	vmor vm0, vm4  }
0x30: {  	v60 =	vld [tilespmem:s19+$0xB];
	vm6 =	veq.s32 v8, v2;
	vm0 =	vmor vm0, vm5  }
0x31: {  	vm0 =	vmor vm0, vm6;
	vm7 =	veq.s32 v3, v2;
	v3 =	vld [tilespmem:s19+$0xC]  }
0x32: {  	v61 =	vld [tilespmem:s19+$0xD];
	vm8 =	veq.s32 v57, v2;
	vm0 =	vmor vm0, vm7  }
0x33: {  	v62 =	vld [tilespmem:s19+$0xE];
	vm9 =	veq.s32 v58, v2;
	vm0 =	vmor vm0, vm8  }
0x34: {  	v63 =	vld [tilespmem:s19+$0xF];
	vm10 =	veq.s32 v59, v2;
	vm0 =	vmor vm0, vm9  }
0x35: {  	vm11 =	veq.s32 v60, v2;
	vm0 =	vmor vm0, vm10  }
0x36: {  	vm0 =	vmor vm0, vm11;
	vm12 =	veq.s32 v3, v2  }
0x37: {  	vm13 =	veq.s32 v61, v2;
	vm0 =	vmor vm0, vm12  }
0x38: {  	vm14 =	veq.s32 v62, v2;
	vm0 =	vmor vm0, vm13  }
0x39: {  	vm15 =	veq.s32 v63, v2;
	vm0 =	vmor vm0, vm14  }
0x3a: {  	vm0 =	vmor vm0, vm15  }
0x3b: {  	vm0 =	vmneg vm0  }
0x3c: {  	p0 =	sne.s32 s18, $0x1FC0;
	v3 =	vld [tilespmem:s19+$0x880]  }
.Ltmp2:
0x3d: {  	_ = 	snop;
	(pc) =	sbr.rel @p0 .LBB2_5-.Ltmp2, $2  }
0x3e: {  	_ =	sdelay $0x2  }
0x3f: {  	s18 =	sadd.s32 $0x40, s18;
	[tilespmem:v2+s15+$0x0] =	vst.idx.msk vm0, v3  }
0x40: {  	s18 =	simm.s32 $0x0  }
0x41: {  	v2 =	vld [tilespmem:s18+$0x1880];
	_ =	sdelay $0x7  }
0x42: {  	v3 =	vld.idx.msk [tilespmem:v2+s15+$0x0], $0xffff;
	_ =	sdelay $0x3  }
0x43: {  	s19 =	simm.s32 $0x10;
	s20 =	simm.s32 $0x80  }
.LBB2_7:
0x44: {  	p0 =	sne.s32 s20, $0x3FC0;
	v4 =	vld [tilespmem:s19+$0x1880];
	[tilespmem:s18+$0x2880] =	vst v3  }
0x45: {  	v3 =	vld.idx.msk [tilespmem:v2+s12+$0x0], $0xffff;
	_ =	sdelay $0x3  }
0x46: {  	v2 =	vmov v4;
	_ =	sdelay $0x1  }
0x47: {  	[tilespmem:s18+$0x3880] =	vst v3;
	s18 =	smov.u32 s19  }
0x48: {  	v3 =	vld.idx.msk [tilespmem:v4+s15+$0x0], $0xffff  }
.Ltmp3:
0x49: {  	(pc) =	sbr.rel @p0 .LBB2_7-.Ltmp3, $2  }
0x4a: {  	_ =	sdelay $0x2  }
0x4b: {  	s19 =	sshra.s32 s20, $0x2;
	s20 =	sadd.s32 $0x40, s20  }
0x4c: {  	_ =	sdelay $0x1  }
0x4d: {  	v4 =	vld [tilespmem:s19+$0x1880]  }
0x4e: {  	[tilespmem:s18+$0x2880] =	vst v3  }
0x4f: {  	v2 =	vld.idx.msk [tilespmem:v2+s12+$0x0], $0xffff;
	_ =	sdelay $0x4  }
0x50: {  	[tilespmem:s18+$0x3880] =	vst v2  }
0x51: {  	v2 =	vld.idx.msk [tilespmem:v4+s15+$0x0], $0xffff;
	_ =	sdelay $0x4  }
0x52: {  	[tilespmem:s19+$0x2880] =	vst v2  }
0x53: {  	v2 =	vld.idx.msk [tilespmem:v4+s12+$0x0], $0xffff;
	_ =	sdelay $0x4  }
0x54: {  	[tilespmem:s19+$0x3880] =	vst v2  }
0x55: {  	[hbm4b:s5+s9] =	stream.strided.scatter [tilespmem:s16], [sflag:$0x1], $0x1000, s13, s9, $0x38;
	[tilespmem:$0x4880] =	vst v63  }
0x56: {  	s2 =	sadd.s32 $0x1, s2;
	_ =	swait.ge [sflag:s11], $0x1000  }
0x57: {  	p0 =	sne.s32 s2, s8;
	[sflag:s11] =	ssyncset.done $0x0  }
.Ltmp4:
0x58: {  	[sflag:s11] =	ssyncadd.s32 $0xFFFFF000;
	(pc) =	sbr.rel @p0 .LBB2_2-.Ltmp4, $4  }
0x59: {  	[hbm4b:s6+s9] =	stream.strided.scatter [tilespmem:s17], [sflag:$0x1], $0x1000, s13, s9, $0x38;
	[tilespmem:$0x4880] =	vst v63  }
0x5a: {  	_ =	swait.ge [sflag:s11], $0x1000  }
0x5b: {  	[sflag:s11] =	ssyncset.done $0x0  }
0x5c: {  	[sflag:s11] =	ssyncadd.s32 $0xFFFFF000  }
.LBB2_9:
0x5d: {  	_ =	sfence.sel $0x180000  }
0x5e: {  	[bflag:$0x0] =	sbarrier.arrive $0xFFFF  }
0x5f: {  	p0 =	sne.s32 s1, $0x0;
	_ =	strace $0x90000047  }
0x60: {  	s0 =	sadd.s32 @!p0 $0x100000, s0;
	[bflag:$0x2] =	sbarrier.arrive $0xFFFF  }
0x61: {  	[sflag:s0] =	ssyncadd.tile.s32 @!p0 $0x1;
	_ =	shalt  }
.Lfunc_end2:
_tile_overlayer_lowered:
.L_overlay_start_2:
0x62: {  	(tag) =	ssettag $0x2  }
0x63: {  	s0 =	rddreg [dreg:$0x0];
	s2 =	stileid.u32  }
0x64: {  	s1 =	rddreg [dreg:$0x1];
	p0 =	sne.s32 s2, $0x0  }
0x65: {  	s3 =	rddreg [dreg:$0x2];
	[bflag:$0x3] =	sbarrier.arrive $0xFFFF;
	s2 =	simm.s32 @!p0 $0x1C01  }
0x66: {  	[timem:s3], [sflag:s2] =	dma.local @!p0 [hbm:s0], s1  }
0x67: {  	s0 =	simm.s32 @!p0 $0x1  }
0x68: {  	_ =	swait.ge @!p0 [sflag:s0], s1  }
0x69: {  	s1 =	ssub.s32 @!p0 $0x0, s1;
	[sflag:s0] =	ssyncset.done @!p0 $0x0  }
0x6a: {  	[sflag:s0] =	ssyncadd.s32 @!p0 s1  }
0x6b: {  	[bflag:$0x3] =	sbarrier.arrive $0xFFFF  }
0x6c: {  	_ =	shalt  }

</sc_bundles>
